<compile_context>
chip_gen: v7x
topology: tpu7x:2x2x1
jax: 0.10.2.dev20260603
libtpu: 0.0.44.dev20260713+nightly
codegen_flags: <defaults>
</compile_context>

<pallas_src>
import jax
import jax.numpy as jnp
from jax import lax
from jax.experimental import pallas as pl
from jax.experimental.pallas import tpu as pltpu
from jax.experimental.pallas import tpu_sc as plsc

N = 10000
E = 320000
D = 128

NUM_CORES = 2
NUM_SUBCORES = 16
NW = NUM_CORES * NUM_SUBCORES

CHUNK = 128
CHUNKS = -(-E // (NW * CHUNK))
EDGES_PER_W = CHUNKS * CHUNK
E_PAD = NW * EDGES_PER_W

ACC_ROWS = 10240
ROWS_PER_SUB = ACC_ROWS // NUM_SUBCORES
ZROWS = 64


def _agg_body(x_hbm, src_hbm, dst_hbm, out_hbm, src_v, dst_v, rows_v, zbuf, acc,
              isem, zsem, gsem):
    cid = lax.axis_index("c")
    sid = lax.axis_index("s")
    wid = cid * NUM_SUBCORES + sid

    pltpu.make_async_copy(src_hbm.at[wid], src_v, isem).start()
    pltpu.make_async_copy(dst_hbm.at[wid], dst_v, isem).start()

    @pl.loop(0, ZROWS)
    def _(r):
        @pl.loop(0, zbuf.shape[1], step=16)
        def _(c):
            zbuf[r, pl.ds(c, 16)] = jnp.zeros((16,), jnp.float32)

    zbase = sid * ROWS_PER_SUB

    @pl.loop(0, ROWS_PER_SUB // ZROWS)
    def _(i):
        pltpu.make_async_copy(
            zbuf, acc.at[pl.ds(zbase + i * ZROWS, ZROWS)], zsem).start()

    pltpu.make_async_copy(src_hbm.at[wid], src_v, isem).wait()
    pltpu.make_async_copy(dst_hbm.at[wid], dst_v, isem).wait()

    pltpu.make_async_copy(x_hbm.at[src_v.at[0]], rows_v, gsem).start()

    @pl.loop(0, ROWS_PER_SUB // ZROWS)
    def _(i):
        pltpu.make_async_copy(
            zbuf, acc.at[pl.ds(zbase + i * ZROWS, ZROWS)], zsem).wait()

    plsc.subcore_barrier()

    pltpu.make_async_copy(x_hbm.at[src_v.at[0]], rows_v, gsem).wait()
    pltpu.sync_copy(rows_v, acc.at[dst_v.at[0]], add=True)

    @pl.loop(1, CHUNKS)
    def _(j):
        pltpu.sync_copy(x_hbm.at[src_v.at[j]], rows_v)
        pltpu.sync_copy(rows_v, acc.at[dst_v.at[j]], add=True)

    plsc.subcore_barrier()

    pltpu.sync_copy(acc.at[pl.ds(zbase, ROWS_PER_SUB)],
                    out_hbm.at[cid, pl.ds(zbase, ROWS_PER_SUB)])


def _sc_agg(x, src3, dst3):
    mesh = plsc.VectorSubcoreMesh(core_axis_name="c", subcore_axis_name="s")
    k = pl.kernel(
        _agg_body,
        mesh=mesh,
        out_type=jax.ShapeDtypeStruct((NUM_CORES, ACC_ROWS, D), jnp.float32),
        scratch_types=[
            pltpu.VMEM((CHUNKS, CHUNK), jnp.int32),
            pltpu.VMEM((CHUNKS, CHUNK), jnp.int32),
            pltpu.VMEM((CHUNK, D), jnp.float32),
            pltpu.VMEM((ZROWS, D), jnp.float32),
            pltpu.VMEM_SHARED((ACC_ROWS, D), jnp.float32),
            pltpu.SemaphoreType.DMA,
            pltpu.SemaphoreType.DMA,
            pltpu.SemaphoreType.DMA,
        ],
    )
    return k(x, src3, dst3)


def _mlp_body(x_ref, p0_ref, p1_ref, w_ref, b_ref, o_ref):
    s = x_ref[...] + p0_ref[...] + p1_ref[...]
    acc = lax.dot_general(s, w_ref[...], (((1,), (0,)), ((), ())),
                          preferred_element_type=jnp.float32,
                          precision=lax.Precision.HIGHEST)
    o_ref[...] = jnp.maximum(acc + b_ref[...], 0.0)


_BLK = 2000


def _mlp(x, parts, w, b):
    grid = (N // _BLK,)
    return pl.pallas_call(
        _mlp_body,
        grid=grid,
        in_specs=[
            pl.BlockSpec((_BLK, D), lambda i: (i, 0)),
            pl.BlockSpec((_BLK, D), lambda i: (i, 0)),
            pl.BlockSpec((_BLK, D), lambda i: (i, 0)),
            pl.BlockSpec((D, D), lambda i: (0, 0)),
            pl.BlockSpec((1, D), lambda i: (0, 0)),
        ],
        out_specs=pl.BlockSpec((_BLK, D), lambda i: (i, 0)),
        out_shape=jax.ShapeDtypeStruct((N, D), jnp.float32),
    )(x, parts[0], parts[1], w, b)


def kernel(node_emb, edge_index, W1, b1, W2, b2):
    src = edge_index[0].astype(jnp.int32)
    dst = edge_index[1].astype(jnp.int32)
    pad = E_PAD - E
    src3 = jnp.concatenate([src, jnp.zeros((pad,), jnp.int32)]).reshape(
        NW, CHUNKS, CHUNK)
    dst3 = jnp.concatenate([dst, jnp.full((pad,), N, jnp.int32)]).reshape(
        NW, CHUNKS, CHUNK)
    b1r = b1.reshape(1, D)
    b2r = b2.reshape(1, D)

    p1 = _sc_agg(node_emb, src3, dst3)
    h1 = _mlp(node_emb, p1, W1, b1r)
    p2 = _sc_agg(h1, src3, dst3)
    return _mlp(h1, p2, W2, b2r)

# --- scband reference (transcript-rebuilt; emitter-appended) ---
"""Pipeline reference for scband-gin-73512660238648 (READ-ONLY COPY).

The authoritative reference and input builder live on the scoring server;
editing this copy changes nothing except your own understanding.
"""

import jax, jax.numpy as jnp
import numpy as np

N = 10000
E = 320000
D = 128


def setup_inputs(seed: int = 0) -> dict:
    key = jax.random.key(seed)
    k1, k2, k3, k4, k5, k6 = jax.random.split(key, 6)
    node_emb = jax.random.normal(k1, (N, D), dtype=jnp.float32)
    edge_index = jax.random.randint(k2, (2, E), 0, N)
    W1 = jax.random.normal(k3, (D, D), dtype=jnp.float32) * 0.05
    b1 = jnp.zeros((D,), dtype=jnp.float32)
    W2 = jax.random.normal(k4, (D, D), dtype=jnp.float32) * 0.05
    b2 = jnp.zeros((D,), dtype=jnp.float32)
    return {"node_emb": node_emb, "edge_index": edge_index, "W1": W1, "b1": b1, "W2": W2, "b2": b2}


def reference(node_emb, edge_index, W1, b1, W2, b2):
    # GIN forward as written: only conv1 and conv2 are applied.
    # GINConv(train_eps=False, eps=0): out = mlp((1+eps)*x + sum_{j in N(i)} x_j)
    src = edge_index[0]
    dst = edge_index[1]
    # conv1: aggregate neighbor features (sum over incoming edges), then Mlp([in, hidden]) = Linear + ReLU
    msgs1 = jnp.take(node_emb, src, axis=0)
    agg1 = jax.ops.segment_sum(msgs1, dst, num_segments=N)
    h1 = jax.nn.relu((node_emb + agg1) @ W1 + b1)
    # conv2: Mlp([hidden, out], dropout=0.5) -> dropout is identity at inference
    msgs2 = jnp.take(h1, src, axis=0)
    agg2 = jax.ops.segment_sum(msgs2, dst, num_segments=N)
    out = jax.nn.relu((h1 + agg2) @ W2 + b2)
    return out

if __name__ == "__main__":
    import jax
    _d = setup_inputs()
    print(jax.jit(kernel)(*tuple(_d.values())))

</pallas_src>

<mosaic_0001>
#map = affine_map<(d0, d1) -> (0, 0)>
#map1 = affine_map<(d0, d1) -> (0, 0, 0)>
module attributes {stable_mosaic.version = 14 : i64} {
  func.func @_agg_body(%arg0: i32, %arg1: i32, %arg2: memref<10000x128xf32, #tpu.memory_space<hbm>>, %arg3: memref<32x79x128xi32, #tpu.memory_space<hbm>>, %arg4: memref<32x79x128xi32, #tpu.memory_space<hbm>>, %arg5: memref<2x10240x128xf32, #tpu.memory_space<hbm>>, %arg6: memref<79x128xi32, #tpu.memory_space<vmem>>, %arg7: memref<79x128xi32, #tpu.memory_space<vmem>>, %arg8: memref<128x128xf32, #tpu.memory_space<vmem>>, %arg9: memref<64x128xf32, #tpu.memory_space<vmem>>, %arg10: memref<10240x128xf32, #tpu.memory_space<vmem_shared>>, %arg11: memref<!tpu.dma_semaphore, #tpu.memory_space<semaphore_mem>>, %arg12: memref<!tpu.dma_semaphore, #tpu.memory_space<semaphore_mem>>, %arg13: memref<!tpu.dma_semaphore, #tpu.memory_space<semaphore_mem>>) attributes {dimension_semantics = [#tpu.dimension_semantics<core_parallel>, #tpu.dimension_semantics<subcore_parallel>], iteration_bounds = array<i64: 2, 16>, scalar_prefetch = 0 : i64, scratch_operands = 8 : i64, tpu.core_type = #tpu.core_type<sc_vector_subcore>, window_params = [{transform_indices = #map}, {transform_indices = #map1}, {transform_indices = #map1}, {transform_indices = #map1}]} {
    %mul3A = arith.constant 16 : i32
    %mul3A_0 = arith.muli %arg0, %mul3A : i32
    %add3A = arith.addi %mul3A_0, %arg1 : i32
    %dma_start3A = arith.constant 0 : i32
    %dma_start3A_1 = arith.constant 0 : i32
    %dma_start3A_2 = tpu.memref_slice %arg3[%add3A, %dma_start3A, %dma_start3A_1] : memref<32x79x128xi32, #tpu.memory_space<hbm>> -> memref<1x79x128xi32, #tpu.memory_space<hbm>>
    %dma_start3A_3 = tpu.memref_squeeze %dma_start3A_2 : memref<1x79x128xi32, #tpu.memory_space<hbm>> -> memref<79x128xi32, #tpu.memory_space<hbm>>
    %dma_start3A_4 = arith.constant 0 : i32
    %dma_start3A_5 = arith.constant 0 : i32
    %dma_start3A_6 = tpu.memref_slice %arg3[%add3A, %dma_start3A_4, %dma_start3A_5] : memref<32x79x128xi32, #tpu.memory_space<hbm>> -> memref<1x79x128xi32, #tpu.memory_space<hbm>>
    %dma_start3A_7 = tpu.memref_squeeze %dma_start3A_6 : memref<1x79x128xi32, #tpu.memory_space<hbm>> -> memref<79x128xi32, #tpu.memory_space<hbm>>
    tpu.enqueue_dma source(%dma_start3A_7 : memref<79x128xi32, #tpu.memory_space<hbm>>) target(%arg6 : memref<79x128xi32, #tpu.memory_space<vmem>>) target_semaphore(%arg11 : memref<!tpu.dma_semaphore, #tpu.memory_space<semaphore_mem>>)
    %dma_start3A_8 = arith.constant 0 : i32
    %dma_start3A_9 = arith.constant 0 : i32
    %dma_start3A_10 = tpu.memref_slice %arg4[%add3A, %dma_start3A_8, %dma_start3A_9] : memref<32x79x128xi32, #tpu.memory_space<hbm>> -> memref<1x79x128xi32, #tpu.memory_space<hbm>>
    %dma_start3A_11 = tpu.memref_squeeze %dma_start3A_10 : memref<1x79x128xi32, #tpu.memory_space<hbm>> -> memref<79x128xi32, #tpu.memory_space<hbm>>
    %dma_start3A_12 = arith.constant 0 : i32
    %dma_start3A_13 = arith.constant 0 : i32
    %dma_start3A_14 = tpu.memref_slice %arg4[%add3A, %dma_start3A_12, %dma_start3A_13] : memref<32x79x128xi32, #tpu.memory_space<hbm>> -> memref<1x79x128xi32, #tpu.memory_space<hbm>>
    %dma_start3A_15 = tpu.memref_squeeze %dma_start3A_14 : memref<1x79x128xi32, #tpu.memory_space<hbm>> -> memref<79x128xi32, #tpu.memory_space<hbm>>
    tpu.enqueue_dma source(%dma_start3A_15 : memref<79x128xi32, #tpu.memory_space<hbm>>) target(%arg7 : memref<79x128xi32, #tpu.memory_space<vmem>>) target_semaphore(%arg11 : memref<!tpu.dma_semaphore, #tpu.memory_space<semaphore_mem>>)
    %scan3A = arith.constant 0 : i32
    %scan3A_16 = arith.constant 64 : i32
    %scan3A_17 = arith.addi %scan3A, %scan3A_16 : i32
    %scan3A_18 = arith.constant 1 : i32
    scf.for %scan3A_67 = %scan3A to %scan3A_17 step %scan3A_18  : i32 {
      %mul3A_68 = arith.constant 1 : i32
      %mul3A_69 = arith.muli %scan3A_67, %mul3A_68 : i32
      %add3A_70 = arith.constant 0 : i32
      %add3A_71 = arith.addi %add3A_70, %mul3A_69 : i32
      %scan3A_72 = arith.constant 0 : i32
      %scan3A_73 = arith.constant 8 : i32
      %scan3A_74 = arith.addi %scan3A_72, %scan3A_73 : i32
      %scan3A_75 = arith.constant 1 : i32
      scf.for %scan3A_77 = %scan3A_72 to %scan3A_74 step %scan3A_75  : i32 {
        %mul3A_78 = arith.constant 16 : i32
        %mul3A_79 = arith.muli %scan3A_77, %mul3A_78 : i32
        %add3A_80 = arith.constant 0 : i32
        %add3A_81 = arith.addi %add3A_80, %mul3A_79 : i32
        %broadcast_in_dim3A = arith.constant 0.000000e+00 : f32
        %broadcast_in_dim3A_82 = vector.broadcast %broadcast_in_dim3A : f32 to vector<16xf32>
        %swap3A = arith.index_cast %add3A_71 : i32 to index
        %swap3A_83 = arith.index_cast %add3A_81 : i32 to index
        %swap3A_84 = tpu.vector_load %arg9[%swap3A, %swap3A_83] {strides = array<i32>} : memref<64x128xf32, #tpu.memory_space<vmem>>, vector<1x16xf32>,
        %swap3A_85 = vector.shape_cast %swap3A_84 : vector<1x16xf32> to vector<16xf32>
        %swap3A_86 = vector.shape_cast %broadcast_in_dim3A_82 : vector<16xf32> to vector<1x16xf32>
        tpu.vector_store %arg9[%swap3A, %swap3A_83], %swap3A_86 {strides = array<i32>} : memref<64x128xf32, #tpu.memory_space<vmem>>, vector<1x16xf32>,
      }
      %scan3A_76 = arith.constant 8 : i32
    }
    %scan3A_19 = arith.constant 64 : i32
    %mul3A_20 = arith.constant 640 : i32
    %mul3A_21 = arith.muli %arg1, %mul3A_20 : i32
    %scan3A_22 = arith.constant 0 : i32
    %scan3A_23 = arith.constant 10 : i32
    %scan3A_24 = arith.addi %scan3A_22, %scan3A_23 : i32
    %scan3A_25 = arith.constant 1 : i32
    scf.for %scan3A_67 = %scan3A_22 to %scan3A_24 step %scan3A_25  : i32 {
      %mul3A_68 = arith.constant 1 : i32
      %mul3A_69 = arith.muli %scan3A_67, %mul3A_68 : i32
      %add3A_70 = arith.constant 0 : i32
      %add3A_71 = arith.addi %add3A_70, %mul3A_69 : i32
      %mul3A_72 = arith.constant 64 : i32
      %mul3A_73 = arith.muli %add3A_71, %mul3A_72 : i32
      %add3A_74 = arith.addi %mul3A_21, %mul3A_73 : i32
      %dma_start3A_75 = arith.constant 0 : i32
      %dma_start3A_76 = tpu.memref_slice %arg10[%add3A_74, %dma_start3A_75] : memref<10240x128xf32, #tpu.memory_space<vmem_shared>> -> memref<64x128xf32, #tpu.memory_space<vmem_shared>>
      %dma_start3A_77 = arith.constant 0 : i32
      %dma_start3A_78 = tpu.memref_slice %arg10[%add3A_74, %dma_start3A_77] : memref<10240x128xf32, #tpu.memory_space<vmem_shared>> -> memref<64x128xf32, #tpu.memory_space<vmem_shared>>
      tpu.enqueue_dma source(%arg9 : memref<64x128xf32, #tpu.memory_space<vmem>>) target(%dma_start3A_78 : memref<64x128xf32, #tpu.memory_space<vmem_shared>>) target_semaphore(%arg12 : memref<!tpu.dma_semaphore, #tpu.memory_space<semaphore_mem>>)
    }
    %scan3A_26 = arith.constant 10 : i32
    %dma_wait3A = arith.constant 0 : i32
    %dma_wait3A_27 = arith.constant 0 : i32
    %dma_wait3A_28 = tpu.memref_slice %arg3[%add3A, %dma_wait3A, %dma_wait3A_27] : memref<32x79x128xi32, #tpu.memory_space<hbm>> -> memref<1x79x128xi32, #tpu.memory_space<hbm>>
    %dma_wait3A_29 = tpu.memref_squeeze %dma_wait3A_28 : memref<1x79x128xi32, #tpu.memory_space<hbm>> -> memref<79x128xi32, #tpu.memory_space<hbm>>
    %dma_wait3A_30 = arith.constant 0 : i32
    %dma_wait3A_31 = arith.constant 0 : i32
    %dma_wait3A_32 = tpu.memref_slice %arg3[%add3A, %dma_wait3A_30, %dma_wait3A_31] : memref<32x79x128xi32, #tpu.memory_space<hbm>> -> memref<1x79x128xi32, #tpu.memory_space<hbm>>
    %dma_wait3A_33 = tpu.memref_squeeze %dma_wait3A_32 : memref<1x79x128xi32, #tpu.memory_space<hbm>> -> memref<79x128xi32, #tpu.memory_space<hbm>>
    tpu.wait_dma2 semaphore(%arg11 : memref<!tpu.dma_semaphore, #tpu.memory_space<semaphore_mem>>) src(%dma_wait3A_33 : memref<79x128xi32, #tpu.memory_space<hbm>>) dst(%arg6 : memref<79x128xi32, #tpu.memory_space<vmem>>)
    %dma_wait3A_34 = arith.constant 0 : i32
    %dma_wait3A_35 = arith.constant 0 : i32
    %dma_wait3A_36 = tpu.memref_slice %arg4[%add3A, %dma_wait3A_34, %dma_wait3A_35] : memref<32x79x128xi32, #tpu.memory_space<hbm>> -> memref<1x79x128xi32, #tpu.memory_space<hbm>>
    %dma_wait3A_37 = tpu.memref_squeeze %dma_wait3A_36 : memref<1x79x128xi32, #tpu.memory_space<hbm>> -> memref<79x128xi32, #tpu.memory_space<hbm>>
    %dma_wait3A_38 = arith.constant 0 : i32
    %dma_wait3A_39 = arith.constant 0 : i32
    %dma_wait3A_40 = tpu.memref_slice %arg4[%add3A, %dma_wait3A_38, %dma_wait3A_39] : memref<32x79x128xi32, #tpu.memory_space<hbm>> -> memref<1x79x128xi32, #tpu.memory_space<hbm>>
    %dma_wait3A_41 = tpu.memref_squeeze %dma_wait3A_40 : memref<1x79x128xi32, #tpu.memory_space<hbm>> -> memref<79x128xi32, #tpu.memory_space<hbm>>
    tpu.wait_dma2 semaphore(%arg11 : memref<!tpu.dma_semaphore, #tpu.memory_space<semaphore_mem>>) src(%dma_wait3A_41 : memref<79x128xi32, #tpu.memory_space<hbm>>) dst(%arg7 : memref<79x128xi32, #tpu.memory_space<vmem>>)
    %dma_start3A_42 = arith.constant 0 : i32
    %dma_start3A_43 = arith.constant 0 : i32
    %dma_start3A_44 = tpu.memref_slice %arg6[%dma_start3A_42, %dma_start3A_43] : memref<79x128xi32, #tpu.memory_space<vmem>> -> memref<1x128xi32, #tpu.memory_space<vmem>>
    %dma_start3A_45 = tpu.memref_squeeze %dma_start3A_44 : memref<1x128xi32, #tpu.memory_space<vmem>> -> memref<128xi32, #tpu.memory_space<vmem>>
    %dma_start3A_46 = arith.constant 0 : i32
    %dma_start3A_47 = arith.constant 0 : i32
    %dma_start3A_48 = tpu.memref_slice %arg2[%dma_start3A_46, %dma_start3A_47] : memref<10000x128xf32, #tpu.memory_space<hbm>> -> memref<10000x128xf32, #tpu.memory_space<hbm>>
    tpu.enqueue_indirect_dma source(%dma_start3A_48 : memref<10000x128xf32, #tpu.memory_space<hbm>>) target(%arg8 : memref<128x128xf32, #tpu.memory_space<vmem>>) offsets(%dma_start3A_45 : memref<128xi32, #tpu.memory_space<vmem>>) semaphore(%arg13 : memref<!tpu.dma_semaphore, #tpu.memory_space<semaphore_mem>>)
    %scan3A_49 = arith.constant 0 : i32
    %scan3A_50 = arith.constant 10 : i32
    %scan3A_51 = arith.addi %scan3A_49, %scan3A_50 : i32
    %scan3A_52 = arith.constant 1 : i32
    scf.for %scan3A_67 = %scan3A_49 to %scan3A_51 step %scan3A_52  : i32 {
      %mul3A_68 = arith.constant 1 : i32
      %mul3A_69 = arith.muli %scan3A_67, %mul3A_68 : i32
      %add3A_70 = arith.constant 0 : i32
      %add3A_71 = arith.addi %add3A_70, %mul3A_69 : i32
      %mul3A_72 = arith.constant 64 : i32
      %mul3A_73 = arith.muli %add3A_71, %mul3A_72 : i32
      %add3A_74 = arith.addi %mul3A_21, %mul3A_73 : i32
      %dma_wait3A_75 = arith.constant 0 : i32
      %dma_wait3A_76 = tpu.memref_slice %arg10[%add3A_74, %dma_wait3A_75] : memref<10240x128xf32, #tpu.memory_space<vmem_shared>> -> memref<64x128xf32, #tpu.memory_space<vmem_shared>>
      %dma_wait3A_77 = arith.constant 0 : i32
      %dma_wait3A_78 = tpu.memref_slice %arg10[%add3A_74, %dma_wait3A_77] : memref<10240x128xf32, #tpu.memory_space<vmem_shared>> -> memref<64x128xf32, #tpu.memory_space<vmem_shared>>
      tpu.wait_dma2 semaphore(%arg12 : memref<!tpu.dma_semaphore, #tpu.memory_space<semaphore_mem>>) src(%arg9 : memref<64x128xf32, #tpu.memory_space<vmem>>) dst(%dma_wait3A_78 : memref<64x128xf32, #tpu.memory_space<vmem_shared>>)
    }
    %scan3A_53 = arith.constant 10 : i32
    %barrier3A = arith.constant 0 : index
    tpu.barrier barrier_id(%barrier3A)
    %dma_wait3A_54 = arith.constant 0 : i32
    %dma_wait3A_55 = arith.constant 0 : i32
    %dma_wait3A_56 = tpu.memref_slice %arg6[%dma_wait3A_54, %dma_wait3A_55] : memref<79x128xi32, #tpu.memory_space<vmem>> -> memref<1x128xi32, #tpu.memory_space<vmem>>
    %dma_wait3A_57 = tpu.memref_squeeze %dma_wait3A_56 : memref<1x128xi32, #tpu.memory_space<vmem>> -> memref<128xi32, #tpu.memory_space<vmem>>
    %dma_wait3A_58 = arith.constant 0 : i32
    %dma_wait3A_59 = arith.constant 0 : i32
    %dma_wait3A_60 = tpu.memref_slice %arg2[%dma_wait3A_58, %dma_wait3A_59] : memref<10000x128xf32, #tpu.memory_space<hbm>> -> memref<10000x128xf32, #tpu.memory_space<hbm>>
    tpu.wait_indirect_dma semaphore(%arg13 : memref<!tpu.dma_semaphore, #tpu.memory_space<semaphore_mem>>) src(%dma_wait3A_60 : memref<10000x128xf32, #tpu.memory_space<hbm>>) dst(%arg8 : memref<128x128xf32, #tpu.memory_space<vmem>>)
    %run_scoped3A = arith.constant 0 : i32
    "tpu.region"() ({
      %run_scoped3A_67 = tpu.sem_alloc : memref<!tpu.dma_semaphore, #tpu.memory_space<semaphore_mem>>
      %dma_start3A_68 = arith.constant 0 : i32
      %dma_start3A_69 = tpu.memref_slice %arg7[%run_scoped3A, %dma_start3A_68] : memref<79x128xi32, #tpu.memory_space<vmem>> -> memref<1x128xi32, #tpu.memory_space<vmem>>
      %dma_start3A_70 = tpu.memref_squeeze %dma_start3A_69 : memref<1x128xi32, #tpu.memory_space<vmem>> -> memref<128xi32, #tpu.memory_space<vmem>>
      %dma_start3A_71 = arith.constant 0 : i32
      %dma_start3A_72 = arith.constant 0 : i32
      %dma_start3A_73 = tpu.memref_slice %arg10[%dma_start3A_71, %dma_start3A_72] : memref<10240x128xf32, #tpu.memory_space<vmem_shared>> -> memref<10240x128xf32, #tpu.memory_space<vmem_shared>>
      tpu.enqueue_indirect_dma source(%arg8 : memref<128x128xf32, #tpu.memory_space<vmem>>) target(%dma_start3A_73 : memref<10240x128xf32, #tpu.memory_space<vmem_shared>>) offsets(%dma_start3A_70 : memref<128xi32, #tpu.memory_space<vmem>>) semaphore(%run_scoped3A_67 : memref<!tpu.dma_semaphore, #tpu.memory_space<semaphore_mem>>) {add = true}
      %dma_wait3A_74 = arith.constant 0 : i32
      %dma_wait3A_75 = tpu.memref_slice %arg7[%run_scoped3A, %dma_wait3A_74] : memref<79x128xi32, #tpu.memory_space<vmem>> -> memref<1x128xi32, #tpu.memory_space<vmem>>
      %dma_wait3A_76 = tpu.memref_squeeze %dma_wait3A_75 : memref<1x128xi32, #tpu.memory_space<vmem>> -> memref<128xi32, #tpu.memory_space<vmem>>
      %dma_wait3A_77 = arith.constant 0 : i32
      %dma_wait3A_78 = arith.constant 0 : i32
      %dma_wait3A_79 = tpu.memref_slice %arg10[%dma_wait3A_77, %dma_wait3A_78] : memref<10240x128xf32, #tpu.memory_space<vmem_shared>> -> memref<10240x128xf32, #tpu.memory_space<vmem_shared>>
      tpu.wait_indirect_dma semaphore(%run_scoped3A_67 : memref<!tpu.dma_semaphore, #tpu.memory_space<semaphore_mem>>) src(%arg8 : memref<128x128xf32, #tpu.memory_space<vmem>>) dst(%dma_wait3A_79 : memref<10240x128xf32, #tpu.memory_space<vmem_shared>>)
      tpu.yield
    }) : () -> ()
    %scan3A_61 = arith.constant 0 : i32
    %scan3A_62 = arith.constant 78 : i32
    %scan3A_63 = arith.addi %scan3A_61, %scan3A_62 : i32
    %scan3A_64 = arith.constant 1 : i32
    scf.for %scan3A_67 = %scan3A_61 to %scan3A_63 step %scan3A_64  : i32 {
      %mul3A_68 = arith.constant 1 : i32
      %mul3A_69 = arith.muli %scan3A_67, %mul3A_68 : i32
      %add3A_70 = arith.constant 1 : i32
      %add3A_71 = arith.addi %add3A_70, %mul3A_69 : i32
      "tpu.region"() ({
        %run_scoped3A_72 = tpu.sem_alloc : memref<!tpu.dma_semaphore, #tpu.memory_space<semaphore_mem>>
        %dma_start3A_73 = arith.constant 0 : i32
        %dma_start3A_74 = tpu.memref_slice %arg6[%add3A_71, %dma_start3A_73] : memref<79x128xi32, #tpu.memory_space<vmem>> -> memref<1x128xi32, #tpu.memory_space<vmem>>
        %dma_start3A_75 = tpu.memref_squeeze %dma_start3A_74 : memref<1x128xi32, #tpu.memory_space<vmem>> -> memref<128xi32, #tpu.memory_space<vmem>>
        %dma_start3A_76 = arith.constant 0 : i32
        %dma_start3A_77 = arith.constant 0 : i32
        %dma_start3A_78 = tpu.memref_slice %arg2[%dma_start3A_76, %dma_start3A_77] : memref<10000x128xf32, #tpu.memory_space<hbm>> -> memref<10000x128xf32, #tpu.memory_space<hbm>>
        tpu.enqueue_indirect_dma source(%dma_start3A_78 : memref<10000x128xf32, #tpu.memory_space<hbm>>) target(%arg8 : memref<128x128xf32, #tpu.memory_space<vmem>>) offsets(%dma_start3A_75 : memref<128xi32, #tpu.memory_space<vmem>>) semaphore(%run_scoped3A_72 : memref<!tpu.dma_semaphore, #tpu.memory_space<semaphore_mem>>)
        %dma_wait3A_79 = arith.constant 0 : i32
        %dma_wait3A_80 = tpu.memref_slice %arg6[%add3A_71, %dma_wait3A_79] : memref<79x128xi32, #tpu.memory_space<vmem>> -> memref<1x128xi32, #tpu.memory_space<vmem>>
        %dma_wait3A_81 = tpu.memref_squeeze %dma_wait3A_80 : memref<1x128xi32, #tpu.memory_space<vmem>> -> memref<128xi32, #tpu.memory_space<vmem>>
        %dma_wait3A_82 = arith.constant 0 : i32
        %dma_wait3A_83 = arith.constant 0 : i32
        %dma_wait3A_84 = tpu.memref_slice %arg2[%dma_wait3A_82, %dma_wait3A_83] : memref<10000x128xf32, #tpu.memory_space<hbm>> -> memref<10000x128xf32, #tpu.memory_space<hbm>>
        tpu.wait_indirect_dma semaphore(%run_scoped3A_72 : memref<!tpu.dma_semaphore, #tpu.memory_space<semaphore_mem>>) src(%dma_wait3A_84 : memref<10000x128xf32, #tpu.memory_space<hbm>>) dst(%arg8 : memref<128x128xf32, #tpu.memory_space<vmem>>)
        tpu.yield
      }) : () -> ()
      "tpu.region"() ({
        %run_scoped3A_72 = tpu.sem_alloc : memref<!tpu.dma_semaphore, #tpu.memory_space<semaphore_mem>>
        %dma_start3A_73 = arith.constant 0 : i32
        %dma_start3A_74 = tpu.memref_slice %arg7[%add3A_71, %dma_start3A_73] : memref<79x128xi32, #tpu.memory_space<vmem>> -> memref<1x128xi32, #tpu.memory_space<vmem>>
        %dma_start3A_75 = tpu.memref_squeeze %dma_start3A_74 : memref<1x128xi32, #tpu.memory_space<vmem>> -> memref<128xi32, #tpu.memory_space<vmem>>
        %dma_start3A_76 = arith.constant 0 : i32
        %dma_start3A_77 = arith.constant 0 : i32
        %dma_start3A_78 = tpu.memref_slice %arg10[%dma_start3A_76, %dma_start3A_77] : memref<10240x128xf32, #tpu.memory_space<vmem_shared>> -> memref<10240x128xf32, #tpu.memory_space<vmem_shared>>
        tpu.enqueue_indirect_dma source(%arg8 : memref<128x128xf32, #tpu.memory_space<vmem>>) target(%dma_start3A_78 : memref<10240x128xf32, #tpu.memory_space<vmem_shared>>) offsets(%dma_start3A_75 : memref<128xi32, #tpu.memory_space<vmem>>) semaphore(%run_scoped3A_72 : memref<!tpu.dma_semaphore, #tpu.memory_space<semaphore_mem>>) {add = true}
        %dma_wait3A_79 = arith.constant 0 : i32
        %dma_wait3A_80 = tpu.memref_slice %arg7[%add3A_71, %dma_wait3A_79] : memref<79x128xi32, #tpu.memory_space<vmem>> -> memref<1x128xi32, #tpu.memory_space<vmem>>
        %dma_wait3A_81 = tpu.memref_squeeze %dma_wait3A_80 : memref<1x128xi32, #tpu.memory_space<vmem>> -> memref<128xi32, #tpu.memory_space<vmem>>
        %dma_wait3A_82 = arith.constant 0 : i32
        %dma_wait3A_83 = arith.constant 0 : i32
        %dma_wait3A_84 = tpu.memref_slice %arg10[%dma_wait3A_82, %dma_wait3A_83] : memref<10240x128xf32, #tpu.memory_space<vmem_shared>> -> memref<10240x128xf32, #tpu.memory_space<vmem_shared>>
        tpu.wait_indirect_dma semaphore(%run_scoped3A_72 : memref<!tpu.dma_semaphore, #tpu.memory_space<semaphore_mem>>) src(%arg8 : memref<128x128xf32, #tpu.memory_space<vmem>>) dst(%dma_wait3A_84 : memref<10240x128xf32, #tpu.memory_space<vmem_shared>>)
        tpu.yield
      }) : () -> ()
    }
    %scan3A_65 = arith.constant 78 : i32
    %barrier3A_66 = arith.constant 0 : index
    tpu.barrier barrier_id(%barrier3A_66)
    "tpu.region"() ({
      %run_scoped3A_67 = tpu.sem_alloc : memref<!tpu.dma_semaphore, #tpu.memory_space<semaphore_mem>>
      %dma_start3A_68 = arith.constant 0 : i32
      %dma_start3A_69 = tpu.memref_slice %arg5[%arg0, %mul3A_21, %dma_start3A_68] : memref<2x10240x128xf32, #tpu.memory_space<hbm>> -> memref<1x640x128xf32, #tpu.memory_space<hbm>>
      %dma_start3A_70 = tpu.memref_squeeze %dma_start3A_69 : memref<1x640x128xf32, #tpu.memory_space<hbm>> -> memref<640x128xf32, #tpu.memory_space<hbm>>
      %dma_start3A_71 = arith.constant 0 : i32
      %dma_start3A_72 = tpu.memref_slice %arg10[%mul3A_21, %dma_start3A_71] : memref<10240x128xf32, #tpu.memory_space<vmem_shared>> -> memref<640x128xf32, #tpu.memory_space<vmem_shared>>
      tpu.enqueue_dma source(%dma_start3A_72 : memref<640x128xf32, #tpu.memory_space<vmem_shared>>) target(%dma_start3A_70 : memref<640x128xf32, #tpu.memory_space<hbm>>) target_semaphore(%run_scoped3A_67 : memref<!tpu.dma_semaphore, #tpu.memory_space<semaphore_mem>>)
      %dma_wait3A_73 = arith.constant 0 : i32
      %dma_wait3A_74 = tpu.memref_slice %arg5[%arg0, %mul3A_21, %dma_wait3A_73] : memref<2x10240x128xf32, #tpu.memory_space<hbm>> -> memref<1x640x128xf32, #tpu.memory_space<hbm>>
      %dma_wait3A_75 = tpu.memref_squeeze %dma_wait3A_74 : memref<1x640x128xf32, #tpu.memory_space<hbm>> -> memref<640x128xf32, #tpu.memory_space<hbm>>
      %dma_wait3A_76 = arith.constant 0 : i32
      %dma_wait3A_77 = tpu.memref_slice %arg10[%mul3A_21, %dma_wait3A_76] : memref<10240x128xf32, #tpu.memory_space<vmem_shared>> -> memref<640x128xf32, #tpu.memory_space<vmem_shared>>
      tpu.wait_dma2 semaphore(%run_scoped3A_67 : memref<!tpu.dma_semaphore, #tpu.memory_space<semaphore_mem>>) src(%dma_wait3A_77 : memref<640x128xf32, #tpu.memory_space<vmem_shared>>) dst(%dma_wait3A_75 : memref<640x128xf32, #tpu.memory_space<hbm>>)
      tpu.yield
    }) : () -> ()
    return
  }
}

#map = affine_map<(d0, d1) -> (0, 0)>
#map1 = affine_map<(d0, d1) -> (0, 0, 0)>
module attributes {stable_mosaic.version = 14 : i64} {
  func.func @_agg_body(%arg0: i32, %arg1: i32, %arg2: memref<10000x128xf32, #tpu.memory_space<hbm>>, %arg3: memref<32x79x128xi32, #tpu.memory_space<hbm>>, %arg4: memref<32x79x128xi32, #tpu.memory_space<hbm>>, %arg5: memref<2x10240x128xf32, #tpu.memory_space<hbm>>, %arg6: memref<79x128xi32, #tpu.memory_space<vmem>>, %arg7: memref<79x128xi32, #tpu.memory_space<vmem>>, %arg8: memref<128x128xf32, #tpu.memory_space<vmem>>, %arg9: memref<64x128xf32, #tpu.memory_space<vmem>>, %arg10: memref<10240x128xf32, #tpu.memory_space<vmem_shared>>, %arg11: memref<!tpu.dma_semaphore, #tpu.memory_space<semaphore_mem>>, %arg12: memref<!tpu.dma_semaphore, #tpu.memory_space<semaphore_mem>>, %arg13: memref<!tpu.dma_semaphore, #tpu.memory_space<semaphore_mem>>) attributes {dimension_semantics = [#tpu.dimension_semantics<core_parallel>, #tpu.dimension_semantics<subcore_parallel>], iteration_bounds = array<i64: 2, 16>, scalar_prefetch = 0 : i64, scratch_operands = 8 : i64, tpu.core_type = #tpu.core_type<sc_vector_subcore>, window_params = [{transform_indices = #map}, {transform_indices = #map1}, {transform_indices = #map1}, {transform_indices = #map1}]} {
    %mul3A = arith.constant 16 : i32
    %mul3A_0 = arith.muli %arg0, %mul3A : i32
    %add3A = arith.addi %mul3A_0, %arg1 : i32
    %dma_start3A = arith.constant 0 : i32
    %dma_start3A_1 = arith.constant 0 : i32
    %dma_start3A_2 = tpu.memref_slice %arg3[%add3A, %dma_start3A, %dma_start3A_1] : memref<32x79x128xi32, #tpu.memory_space<hbm>> -> memref<1x79x128xi32, #tpu.memory_space<hbm>>
    %dma_start3A_3 = tpu.memref_squeeze %dma_start3A_2 : memref<1x79x128xi32, #tpu.memory_space<hbm>> -> memref<79x128xi32, #tpu.memory_space<hbm>>
    %dma_start3A_4 = arith.constant 0 : i32
    %dma_start3A_5 = arith.constant 0 : i32
    %dma_start3A_6 = tpu.memref_slice %arg3[%add3A, %dma_start3A_4, %dma_start3A_5] : memref<32x79x128xi32, #tpu.memory_space<hbm>> -> memref<1x79x128xi32, #tpu.memory_space<hbm>>
    %dma_start3A_7 = tpu.memref_squeeze %dma_start3A_6 : memref<1x79x128xi32, #tpu.memory_space<hbm>> -> memref<79x128xi32, #tpu.memory_space<hbm>>
    tpu.enqueue_dma source(%dma_start3A_7 : memref<79x128xi32, #tpu.memory_space<hbm>>) target(%arg6 : memref<79x128xi32, #tpu.memory_space<vmem>>) target_semaphore(%arg11 : memref<!tpu.dma_semaphore, #tpu.memory_space<semaphore_mem>>)
    %dma_start3A_8 = arith.constant 0 : i32
    %dma_start3A_9 = arith.constant 0 : i32
    %dma_start3A_10 = tpu.memref_slice %arg4[%add3A, %dma_start3A_8, %dma_start3A_9] : memref<32x79x128xi32, #tpu.memory_space<hbm>> -> memref<1x79x128xi32, #tpu.memory_space<hbm>>
    %dma_start3A_11 = tpu.memref_squeeze %dma_start3A_10 : memref<1x79x128xi32, #tpu.memory_space<hbm>> -> memref<79x128xi32, #tpu.memory_space<hbm>>
    %dma_start3A_12 = arith.constant 0 : i32
    %dma_start3A_13 = arith.constant 0 : i32
    %dma_start3A_14 = tpu.memref_slice %arg4[%add3A, %dma_start3A_12, %dma_start3A_13] : memref<32x79x128xi32, #tpu.memory_space<hbm>> -> memref<1x79x128xi32, #tpu.memory_space<hbm>>
    %dma_start3A_15 = tpu.memref_squeeze %dma_start3A_14 : memref<1x79x128xi32, #tpu.memory_space<hbm>> -> memref<79x128xi32, #tpu.memory_space<hbm>>
    tpu.enqueue_dma source(%dma_start3A_15 : memref<79x128xi32, #tpu.memory_space<hbm>>) target(%arg7 : memref<79x128xi32, #tpu.memory_space<vmem>>) target_semaphore(%arg11 : memref<!tpu.dma_semaphore, #tpu.memory_space<semaphore_mem>>)
    %scan3A = arith.constant 0 : i32
    %scan3A_16 = arith.constant 64 : i32
    %scan3A_17 = arith.addi %scan3A, %scan3A_16 : i32
    %scan3A_18 = arith.constant 1 : i32
    scf.for %scan3A_67 = %scan3A to %scan3A_17 step %scan3A_18  : i32 {
      %mul3A_68 = arith.constant 1 : i32
      %mul3A_69 = arith.muli %scan3A_67, %mul3A_68 : i32
      %add3A_70 = arith.constant 0 : i32
      %add3A_71 = arith.addi %add3A_70, %mul3A_69 : i32
      %scan3A_72 = arith.constant 0 : i32
      %scan3A_73 = arith.constant 8 : i32
      %scan3A_74 = arith.addi %scan3A_72, %scan3A_73 : i32
      %scan3A_75 = arith.constant 1 : i32
      scf.for %scan3A_77 = %scan3A_72 to %scan3A_74 step %scan3A_75  : i32 {
        %mul3A_78 = arith.constant 16 : i32
        %mul3A_79 = arith.muli %scan3A_77, %mul3A_78 : i32
        %add3A_80 = arith.constant 0 : i32
        %add3A_81 = arith.addi %add3A_80, %mul3A_79 : i32
        %broadcast_in_dim3A = arith.constant 0.000000e+00 : f32
        %broadcast_in_dim3A_82 = vector.broadcast %broadcast_in_dim3A : f32 to vector<16xf32>
        %swap3A = arith.index_cast %add3A_71 : i32 to index
        %swap3A_83 = arith.index_cast %add3A_81 : i32 to index
        %swap3A_84 = tpu.vector_load %arg9[%swap3A, %swap3A_83] {strides = array<i32>} : memref<64x128xf32, #tpu.memory_space<vmem>>, vector<1x16xf32>,
        %swap3A_85 = vector.shape_cast %swap3A_84 : vector<1x16xf32> to vector<16xf32>
        %swap3A_86 = vector.shape_cast %broadcast_in_dim3A_82 : vector<16xf32> to vector<1x16xf32>
        tpu.vector_store %arg9[%swap3A, %swap3A_83], %swap3A_86 {strides = array<i32>} : memref<64x128xf32, #tpu.memory_space<vmem>>, vector<1x16xf32>,
      }
      %scan3A_76 = arith.constant 8 : i32
    }
    %scan3A_19 = arith.constant 64 : i32
    %mul3A_20 = arith.constant 640 : i32
    %mul3A_21 = arith.muli %arg1, %mul3A_20 : i32
    %scan3A_22 = arith.constant 0 : i32
    %scan3A_23 = arith.constant 10 : i32
    %scan3A_24 = arith.addi %scan3A_22, %scan3A_23 : i32
    %scan3A_25 = arith.constant 1 : i32
    scf.for %scan3A_67 = %scan3A_22 to %scan3A_24 step %scan3A_25  : i32 {
      %mul3A_68 = arith.constant 1 : i32
      %mul3A_69 = arith.muli %scan3A_67, %mul3A_68 : i32
      %add3A_70 = arith.constant 0 : i32
      %add3A_71 = arith.addi %add3A_70, %mul3A_69 : i32
      %mul3A_72 = arith.constant 64 : i32
      %mul3A_73 = arith.muli %add3A_71, %mul3A_72 : i32
      %add3A_74 = arith.addi %mul3A_21, %mul3A_73 : i32
      %dma_start3A_75 = arith.constant 0 : i32
      %dma_start3A_76 = tpu.memref_slice %arg10[%add3A_74, %dma_start3A_75] : memref<10240x128xf32, #tpu.memory_space<vmem_shared>> -> memref<64x128xf32, #tpu.memory_space<vmem_shared>>
      %dma_start3A_77 = arith.constant 0 : i32
      %dma_start3A_78 = tpu.memref_slice %arg10[%add3A_74, %dma_start3A_77] : memref<10240x128xf32, #tpu.memory_space<vmem_shared>> -> memref<64x128xf32, #tpu.memory_space<vmem_shared>>
      tpu.enqueue_dma source(%arg9 : memref<64x128xf32, #tpu.memory_space<vmem>>) target(%dma_start3A_78 : memref<64x128xf32, #tpu.memory_space<vmem_shared>>) target_semaphore(%arg12 : memref<!tpu.dma_semaphore, #tpu.memory_space<semaphore_mem>>)
    }
    %scan3A_26 = arith.constant 10 : i32
    %dma_wait3A = arith.constant 0 : i32
    %dma_wait3A_27 = arith.constant 0 : i32
    %dma_wait3A_28 = tpu.memref_slice %arg3[%add3A, %dma_wait3A, %dma_wait3A_27] : memref<32x79x128xi32, #tpu.memory_space<hbm>> -> memref<1x79x128xi32, #tpu.memory_space<hbm>>
    %dma_wait3A_29 = tpu.memref_squeeze %dma_wait3A_28 : memref<1x79x128xi32, #tpu.memory_space<hbm>> -> memref<79x128xi32, #tpu.memory_space<hbm>>
    %dma_wait3A_30 = arith.constant 0 : i32
    %dma_wait3A_31 = arith.constant 0 : i32
    %dma_wait3A_32 = tpu.memref_slice %arg3[%add3A, %dma_wait3A_30, %dma_wait3A_31] : memref<32x79x128xi32, #tpu.memory_space<hbm>> -> memref<1x79x128xi32, #tpu.memory_space<hbm>>
    %dma_wait3A_33 = tpu.memref_squeeze %dma_wait3A_32 : memref<1x79x128xi32, #tpu.memory_space<hbm>> -> memref<79x128xi32, #tpu.memory_space<hbm>>
    tpu.wait_dma2 semaphore(%arg11 : memref<!tpu.dma_semaphore, #tpu.memory_space<semaphore_mem>>) src(%dma_wait3A_33 : memref<79x128xi32, #tpu.memory_space<hbm>>) dst(%arg6 : memref<79x128xi32, #tpu.memory_space<vmem>>)
    %dma_wait3A_34 = arith.constant 0 : i32
    %dma_wait3A_35 = arith.constant 0 : i32
    %dma_wait3A_36 = tpu.memref_slice %arg4[%add3A, %dma_wait3A_34, %dma_wait3A_35] : memref<32x79x128xi32, #tpu.memory_space<hbm>> -> memref<1x79x128xi32, #tpu.memory_space<hbm>>
    %dma_wait3A_37 = tpu.memref_squeeze %dma_wait3A_36 : memref<1x79x128xi32, #tpu.memory_space<hbm>> -> memref<79x128xi32, #tpu.memory_space<hbm>>
    %dma_wait3A_38 = arith.constant 0 : i32
    %dma_wait3A_39 = arith.constant 0 : i32
    %dma_wait3A_40 = tpu.memref_slice %arg4[%add3A, %dma_wait3A_38, %dma_wait3A_39] : memref<32x79x128xi32, #tpu.memory_space<hbm>> -> memref<1x79x128xi32, #tpu.memory_space<hbm>>
    %dma_wait3A_41 = tpu.memref_squeeze %dma_wait3A_40 : memref<1x79x128xi32, #tpu.memory_space<hbm>> -> memref<79x128xi32, #tpu.memory_space<hbm>>
    tpu.wait_dma2 semaphore(%arg11 : memref<!tpu.dma_semaphore, #tpu.memory_space<semaphore_mem>>) src(%dma_wait3A_41 : memref<79x128xi32, #tpu.memory_space<hbm>>) dst(%arg7 : memref<79x128xi32, #tpu.memory_space<vmem>>)
    %dma_start3A_42 = arith.constant 0 : i32
    %dma_start3A_43 = arith.constant 0 : i32
    %dma_start3A_44 = tpu.memref_slice %arg6[%dma_start3A_42, %dma_start3A_43] : memref<79x128xi32, #tpu.memory_space<vmem>> -> memref<1x128xi32, #tpu.memory_space<vmem>>
    %dma_start3A_45 = tpu.memref_squeeze %dma_start3A_44 : memref<1x128xi32, #tpu.memory_space<vmem>> -> memref<128xi32, #tpu.memory_space<vmem>>
    %dma_start3A_46 = arith.constant 0 : i32
    %dma_start3A_47 = arith.constant 0 : i32
    %dma_start3A_48 = tpu.memref_slice %arg2[%dma_start3A_46, %dma_start3A_47] : memref<10000x128xf32, #tpu.memory_space<hbm>> -> memref<10000x128xf32, #tpu.memory_space<hbm>>
    tpu.enqueue_indirect_dma source(%dma_start3A_48 : memref<10000x128xf32, #tpu.memory_space<hbm>>) target(%arg8 : memref<128x128xf32, #tpu.memory_space<vmem>>) offsets(%dma_start3A_45 : memref<128xi32, #tpu.memory_space<vmem>>) semaphore(%arg13 : memref<!tpu.dma_semaphore, #tpu.memory_space<semaphore_mem>>)
    %scan3A_49 = arith.constant 0 : i32
    %scan3A_50 = arith.constant 10 : i32
    %scan3A_51 = arith.addi %scan3A_49, %scan3A_50 : i32
    %scan3A_52 = arith.constant 1 : i32
    scf.for %scan3A_67 = %scan3A_49 to %scan3A_51 step %scan3A_52  : i32 {
      %mul3A_68 = arith.constant 1 : i32
      %mul3A_69 = arith.muli %scan3A_67, %mul3A_68 : i32
      %add3A_70 = arith.constant 0 : i32
      %add3A_71 = arith.addi %add3A_70, %mul3A_69 : i32
      %mul3A_72 = arith.constant 64 : i32
      %mul3A_73 = arith.muli %add3A_71, %mul3A_72 : i32
      %add3A_74 = arith.addi %mul3A_21, %mul3A_73 : i32
      %dma_wait3A_75 = arith.constant 0 : i32
      %dma_wait3A_76 = tpu.memref_slice %arg10[%add3A_74, %dma_wait3A_75] : memref<10240x128xf32, #tpu.memory_space<vmem_shared>> -> memref<64x128xf32, #tpu.memory_space<vmem_shared>>
      %dma_wait3A_77 = arith.constant 0 : i32
      %dma_wait3A_78 = tpu.memref_slice %arg10[%add3A_74, %dma_wait3A_77] : memref<10240x128xf32, #tpu.memory_space<vmem_shared>> -> memref<64x128xf32, #tpu.memory_space<vmem_shared>>
      tpu.wait_dma2 semaphore(%arg12 : memref<!tpu.dma_semaphore, #tpu.memory_space<semaphore_mem>>) src(%arg9 : memref<64x128xf32, #tpu.memory_space<vmem>>) dst(%dma_wait3A_78 : memref<64x128xf32, #tpu.memory_space<vmem_shared>>)
    }
    %scan3A_53 = arith.constant 10 : i32
    %barrier3A = arith.constant 0 : index
    tpu.barrier barrier_id(%barrier3A)
    %dma_wait3A_54 = arith.constant 0 : i32
    %dma_wait3A_55 = arith.constant 0 : i32
    %dma_wait3A_56 = tpu.memref_slice %arg6[%dma_wait3A_54, %dma_wait3A_55] : memref<79x128xi32, #tpu.memory_space<vmem>> -> memref<1x128xi32, #tpu.memory_space<vmem>>
    %dma_wait3A_57 = tpu.memref_squeeze %dma_wait3A_56 : memref<1x128xi32, #tpu.memory_space<vmem>> -> memref<128xi32, #tpu.memory_space<vmem>>
    %dma_wait3A_58 = arith.constant 0 : i32
    %dma_wait3A_59 = arith.constant 0 : i32
    %dma_wait3A_60 = tpu.memref_slice %arg2[%dma_wait3A_58, %dma_wait3A_59] : memref<10000x128xf32, #tpu.memory_space<hbm>> -> memref<10000x128xf32, #tpu.memory_space<hbm>>
    tpu.wait_indirect_dma semaphore(%arg13 : memref<!tpu.dma_semaphore, #tpu.memory_space<semaphore_mem>>) src(%dma_wait3A_60 : memref<10000x128xf32, #tpu.memory_space<hbm>>) dst(%arg8 : memref<128x128xf32, #tpu.memory_space<vmem>>)
    %run_scoped3A = arith.constant 0 : i32
    "tpu.region"() ({
      %run_scoped3A_67 = tpu.sem_alloc : memref<!tpu.dma_semaphore, #tpu.memory_space<semaphore_mem>>
      %dma_start3A_68 = arith.constant 0 : i32
      %dma_start3A_69 = tpu.memref_slice %arg7[%run_scoped3A, %dma_start3A_68] : memref<79x128xi32, #tpu.memory_space<vmem>> -> memref<1x128xi32, #tpu.memory_space<vmem>>
      %dma_start3A_70 = tpu.memref_squeeze %dma_start3A_69 : memref<1x128xi32, #tpu.memory_space<vmem>> -> memref<128xi32, #tpu.memory_space<vmem>>
      %dma_start3A_71 = arith.constant 0 : i32
      %dma_start3A_72 = arith.constant 0 : i32
      %dma_start3A_73 = tpu.memref_slice %arg10[%dma_start3A_71, %dma_start3A_72] : memref<10240x128xf32, #tpu.memory_space<vmem_shared>> -> memref<10240x128xf32, #tpu.memory_space<vmem_shared>>
      tpu.enqueue_indirect_dma source(%arg8 : memref<128x128xf32, #tpu.memory_space<vmem>>) target(%dma_start3A_73 : memref<10240x128xf32, #tpu.memory_space<vmem_shared>>) offsets(%dma_start3A_70 : memref<128xi32, #tpu.memory_space<vmem>>) semaphore(%run_scoped3A_67 : memref<!tpu.dma_semaphore, #tpu.memory_space<semaphore_mem>>) {add = true}
      %dma_wait3A_74 = arith.constant 0 : i32
      %dma_wait3A_75 = tpu.memref_slice %arg7[%run_scoped3A, %dma_wait3A_74] : memref<79x128xi32, #tpu.memory_space<vmem>> -> memref<1x128xi32, #tpu.memory_space<vmem>>
      %dma_wait3A_76 = tpu.memref_squeeze %dma_wait3A_75 : memref<1x128xi32, #tpu.memory_space<vmem>> -> memref<128xi32, #tpu.memory_space<vmem>>
      %dma_wait3A_77 = arith.constant 0 : i32
      %dma_wait3A_78 = arith.constant 0 : i32
      %dma_wait3A_79 = tpu.memref_slice %arg10[%dma_wait3A_77, %dma_wait3A_78] : memref<10240x128xf32, #tpu.memory_space<vmem_shared>> -> memref<10240x128xf32, #tpu.memory_space<vmem_shared>>
      tpu.wait_indirect_dma semaphore(%run_scoped3A_67 : memref<!tpu.dma_semaphore, #tpu.memory_space<semaphore_mem>>) src(%arg8 : memref<128x128xf32, #tpu.memory_space<vmem>>) dst(%dma_wait3A_79 : memref<10240x128xf32, #tpu.memory_space<vmem_shared>>)
      tpu.yield
    }) : () -> ()
    %scan3A_61 = arith.constant 0 : i32
    %scan3A_62 = arith.constant 78 : i32
    %scan3A_63 = arith.addi %scan3A_61, %scan3A_62 : i32
    %scan3A_64 = arith.constant 1 : i32
    scf.for %scan3A_67 = %scan3A_61 to %scan3A_63 step %scan3A_64  : i32 {
      %mul3A_68 = arith.constant 1 : i32
      %mul3A_69 = arith.muli %scan3A_67, %mul3A_68 : i32
      %add3A_70 = arith.constant 1 : i32
      %add3A_71 = arith.addi %add3A_70, %mul3A_69 : i32
      "tpu.region"() ({
        %run_scoped3A_72 = tpu.sem_alloc : memref<!tpu.dma_semaphore, #tpu.memory_space<semaphore_mem>>
        %dma_start3A_73 = arith.constant 0 : i32
        %dma_start3A_74 = tpu.memref_slice %arg6[%add3A_71, %dma_start3A_73] : memref<79x128xi32, #tpu.memory_space<vmem>> -> memref<1x128xi32, #tpu.memory_space<vmem>>
        %dma_start3A_75 = tpu.memref_squeeze %dma_start3A_74 : memref<1x128xi32, #tpu.memory_space<vmem>> -> memref<128xi32, #tpu.memory_space<vmem>>
        %dma_start3A_76 = arith.constant 0 : i32
        %dma_start3A_77 = arith.constant 0 : i32
        %dma_start3A_78 = tpu.memref_slice %arg2[%dma_start3A_76, %dma_start3A_77] : memref<10000x128xf32, #tpu.memory_space<hbm>> -> memref<10000x128xf32, #tpu.memory_space<hbm>>
        tpu.enqueue_indirect_dma source(%dma_start3A_78 : memref<10000x128xf32, #tpu.memory_space<hbm>>) target(%arg8 : memref<128x128xf32, #tpu.memory_space<vmem>>) offsets(%dma_start3A_75 : memref<128xi32, #tpu.memory_space<vmem>>) semaphore(%run_scoped3A_72 : memref<!tpu.dma_semaphore, #tpu.memory_space<semaphore_mem>>)
        %dma_wait3A_79 = arith.constant 0 : i32
        %dma_wait3A_80 = tpu.memref_slice %arg6[%add3A_71, %dma_wait3A_79] : memref<79x128xi32, #tpu.memory_space<vmem>> -> memref<1x128xi32, #tpu.memory_space<vmem>>
        %dma_wait3A_81 = tpu.memref_squeeze %dma_wait3A_80 : memref<1x128xi32, #tpu.memory_space<vmem>> -> memref<128xi32, #tpu.memory_space<vmem>>
        %dma_wait3A_82 = arith.constant 0 : i32
        %dma_wait3A_83 = arith.constant 0 : i32
        %dma_wait3A_84 = tpu.memref_slice %arg2[%dma_wait3A_82, %dma_wait3A_83] : memref<10000x128xf32, #tpu.memory_space<hbm>> -> memref<10000x128xf32, #tpu.memory_space<hbm>>
        tpu.wait_indirect_dma semaphore(%run_scoped3A_72 : memref<!tpu.dma_semaphore, #tpu.memory_space<semaphore_mem>>) src(%dma_wait3A_84 : memref<10000x128xf32, #tpu.memory_space<hbm>>) dst(%arg8 : memref<128x128xf32, #tpu.memory_space<vmem>>)
        tpu.yield
      }) : () -> ()
      "tpu.region"() ({
        %run_scoped3A_72 = tpu.sem_alloc : memref<!tpu.dma_semaphore, #tpu.memory_space<semaphore_mem>>
        %dma_start3A_73 = arith.constant 0 : i32
        %dma_start3A_74 = tpu.memref_slice %arg7[%add3A_71, %dma_start3A_73] : memref<79x128xi32, #tpu.memory_space<vmem>> -> memref<1x128xi32, #tpu.memory_space<vmem>>
        %dma_start3A_75 = tpu.memref_squeeze %dma_start3A_74 : memref<1x128xi32, #tpu.memory_space<vmem>> -> memref<128xi32, #tpu.memory_space<vmem>>
        %dma_start3A_76 = arith.constant 0 : i32
        %dma_start3A_77 = arith.constant 0 : i32
        %dma_start3A_78 = tpu.memref_slice %arg10[%dma_start3A_76, %dma_start3A_77] : memref<10240x128xf32, #tpu.memory_space<vmem_shared>> -> memref<10240x128xf32, #tpu.memory_space<vmem_shared>>
        tpu.enqueue_indirect_dma source(%arg8 : memref<128x128xf32, #tpu.memory_space<vmem>>) target(%dma_start3A_78 : memref<10240x128xf32, #tpu.memory_space<vmem_shared>>) offsets(%dma_start3A_75 : memref<128xi32, #tpu.memory_space<vmem>>) semaphore(%run_scoped3A_72 : memref<!tpu.dma_semaphore, #tpu.memory_space<semaphore_mem>>) {add = true}
        %dma_wait3A_79 = arith.constant 0 : i32
        %dma_wait3A_80 = tpu.memref_slice %arg7[%add3A_71, %dma_wait3A_79] : memref<79x128xi32, #tpu.memory_space<vmem>> -> memref<1x128xi32, #tpu.memory_space<vmem>>
        %dma_wait3A_81 = tpu.memref_squeeze %dma_wait3A_80 : memref<1x128xi32, #tpu.memory_space<vmem>> -> memref<128xi32, #tpu.memory_space<vmem>>
        %dma_wait3A_82 = arith.constant 0 : i32
        %dma_wait3A_83 = arith.constant 0 : i32
        %dma_wait3A_84 = tpu.memref_slice %arg10[%dma_wait3A_82, %dma_wait3A_83] : memref<10240x128xf32, #tpu.memory_space<vmem_shared>> -> memref<10240x128xf32, #tpu.memory_space<vmem_shared>>
        tpu.wait_indirect_dma semaphore(%run_scoped3A_72 : memref<!tpu.dma_semaphore, #tpu.memory_space<semaphore_mem>>) src(%arg8 : memref<128x128xf32, #tpu.memory_space<vmem>>) dst(%dma_wait3A_84 : memref<10240x128xf32, #tpu.memory_space<vmem_shared>>)
        tpu.yield
      }) : () -> ()
    }
    %scan3A_65 = arith.constant 78 : i32
    %barrier3A_66 = arith.constant 0 : index
    tpu.barrier barrier_id(%barrier3A_66)
    "tpu.region"() ({
      %run_scoped3A_67 = tpu.sem_alloc : memref<!tpu.dma_semaphore, #tpu.memory_space<semaphore_mem>>
      %dma_start3A_68 = arith.constant 0 : i32
      %dma_start3A_69 = tpu.memref_slice %arg5[%arg0, %mul3A_21, %dma_start3A_68] : memref<2x10240x128xf32, #tpu.memory_space<hbm>> -> memref<1x640x128xf32, #tpu.memory_space<hbm>>
      %dma_start3A_70 = tpu.memref_squeeze %dma_start3A_69 : memref<1x640x128xf32, #tpu.memory_space<hbm>> -> memref<640x128xf32, #tpu.memory_space<hbm>>
      %dma_start3A_71 = arith.constant 0 : i32
      %dma_start3A_72 = tpu.memref_slice %arg10[%mul3A_21, %dma_start3A_71] : memref<10240x128xf32, #tpu.memory_space<vmem_shared>> -> memref<640x128xf32, #tpu.memory_space<vmem_shared>>
      tpu.enqueue_dma source(%dma_start3A_72 : memref<640x128xf32, #tpu.memory_space<vmem_shared>>) target(%dma_start3A_70 : memref<640x128xf32, #tpu.memory_space<hbm>>) target_semaphore(%run_scoped3A_67 : memref<!tpu.dma_semaphore, #tpu.memory_space<semaphore_mem>>)
      %dma_wait3A_73 = arith.constant 0 : i32
      %dma_wait3A_74 = tpu.memref_slice %arg5[%arg0, %mul3A_21, %dma_wait3A_73] : memref<2x10240x128xf32, #tpu.memory_space<hbm>> -> memref<1x640x128xf32, #tpu.memory_space<hbm>>
      %dma_wait3A_75 = tpu.memref_squeeze %dma_wait3A_74 : memref<1x640x128xf32, #tpu.memory_space<hbm>> -> memref<640x128xf32, #tpu.memory_space<hbm>>
      %dma_wait3A_76 = arith.constant 0 : i32
      %dma_wait3A_77 = tpu.memref_slice %arg10[%mul3A_21, %dma_wait3A_76] : memref<10240x128xf32, #tpu.memory_space<vmem_shared>> -> memref<640x128xf32, #tpu.memory_space<vmem_shared>>
      tpu.wait_dma2 semaphore(%run_scoped3A_67 : memref<!tpu.dma_semaphore, #tpu.memory_space<semaphore_mem>>) src(%dma_wait3A_77 : memref<640x128xf32, #tpu.memory_space<vmem_shared>>) dst(%dma_wait3A_75 : memref<640x128xf32, #tpu.memory_space<hbm>>)
      tpu.yield
    }) : () -> ()
    return
  }
}

module attributes {stable_mosaic.version = 14 : i64} {
  func.func @_mlp_body(%arg0: i32, %arg1: memref<2000x128xf32, #tpu.memory_space<vmem>>, %arg2: memref<2000x128xf32, #tpu.memory_space<vmem>>, %arg3: memref<2000x128xf32, #tpu.memory_space<vmem>>, %arg4: memref<128x128xf32, #tpu.memory_space<vmem>>, %arg5: memref<1x128xf32, #tpu.memory_space<vmem>>, %arg6: memref<2000x128xf32, #tpu.memory_space<vmem>>) attributes {dimension_semantics = [#tpu.dimension_semantics<arbitrary>], iteration_bounds = array<i64: 5>, scalar_prefetch = 0 : i64, scratch_operands = 0 : i64, tpu.core_type = #tpu.core_type<tc>, window_params = [{transform_indices = @transform_0, window_bounds = array<i64: 2000, 128>}, {transform_indices = @transform_1, window_bounds = array<i64: 2000, 128>}, {transform_indices = @transform_2, window_bounds = array<i64: 2000, 128>}, {pipeline_mode = #tpu.pipeline_mode<synchronous>, transform_indices = @transform_3, window_bounds = array<i64: 128, 128>}, {pipeline_mode = #tpu.pipeline_mode<synchronous>, transform_indices = @transform_4, window_bounds = array<i64: 1, 128>}, {transform_indices = @transform_5, window_bounds = array<i64: 2000, 128>}]} {
    %get3A = arith.constant 0 : index
    %get3A_0 = arith.constant 0 : index
    %get3A_1 = vector.load %arg1[%get3A, %get3A_0] : memref<2000x128xf32, #tpu.memory_space<vmem>>, vector<2000x128xf32>
    %get3A_2 = arith.constant 0 : index
    %get3A_3 = arith.constant 0 : index
    %get3A_4 = vector.load %arg2[%get3A_2, %get3A_3] : memref<2000x128xf32, #tpu.memory_space<vmem>>, vector<2000x128xf32>
    %add3A = arith.addf %get3A_1, %get3A_4 : vector<2000x128xf32>
    %get3A_5 = arith.constant 0 : index
    %get3A_6 = arith.constant 0 : index
    %get3A_7 = vector.load %arg3[%get3A_5, %get3A_6] : memref<2000x128xf32, #tpu.memory_space<vmem>>, vector<2000x128xf32>
    %add3A_8 = arith.addf %add3A, %get3A_7 : vector<2000x128xf32>
    %get3A_9 = arith.constant 0 : index
    %get3A_10 = arith.constant 0 : index
    %get3A_11 = vector.load %arg4[%get3A_9, %get3A_10] : memref<128x128xf32, #tpu.memory_space<vmem>>, vector<128x128xf32>
    %dot_general3A = arith.constant dense<0.000000e+00> : vector<2000x128xf32>
    %dot_general3A_12 = tpu.matmul %add3A_8, %get3A_11, %dot_general3A {dimension_numbers = #tpu.dot_dimension_numbers<[1], [0], [0], [1], [0, 0, 1, 1], [], []>, precision = #tpu.contract_precision<fp32>, transpose_lhs_hint = false} : vector<2000x128xf32>, vector<128x128xf32>, vector<2000x128xf32> -> vector<2000x128xf32>
    %get3A_13 = arith.constant 0 : index
    %get3A_14 = arith.constant 0 : index
    %get3A_15 = vector.load %arg5[%get3A_13, %get3A_14] : memref<1x128xf32, #tpu.memory_space<vmem>>, vector<1x128xf32>
    %add3A_16 = vector.broadcast %get3A_15 : vector<1x128xf32> to vector<2000x128xf32>
    %add3A_17 = arith.addf %dot_general3A_12, %add3A_16 : vector<2000x128xf32>
    %max3A = arith.constant 0.000000e+00 : f32
    %max3A_18 = vector.broadcast %max3A : f32 to vector<2000x128xf32>
    %max3A_19 = arith.maximumf %add3A_17, %max3A_18 : vector<2000x128xf32>
    %swap3A = arith.constant 0 : index
    %swap3A_20 = arith.constant 0 : index
    %swap3A_21 = vector.load %arg6[%swap3A, %swap3A_20] : memref<2000x128xf32, #tpu.memory_space<vmem>>, vector<2000x128xf32>
    tpu.vector_store %arg6[%swap3A, %swap3A_20], %max3A_19 {strides = array<i32>} : memref<2000x128xf32, #tpu.memory_space<vmem>>, vector<2000x128xf32>,
    return
  }
  func.func @transform_0(%arg0: i32) -> (i32, i32) {
    %c0_i32 = arith.constant 0 : i32
    %c0_i32_0 = arith.constant 0 : i32
    return %arg0, %c0_i32 : i32, i32
  }
  func.func @transform_1(%arg0: i32) -> (i32, i32) {
    %c0_i32 = arith.constant 0 : i32
    %c0_i32_0 = arith.constant 0 : i32
    return %arg0, %c0_i32 : i32, i32
  }
  func.func @transform_2(%arg0: i32) -> (i32, i32) {
    %c0_i32 = arith.constant 0 : i32
    %c0_i32_0 = arith.constant 0 : i32
    return %arg0, %c0_i32 : i32, i32
  }
  func.func @transform_3(%arg0: i32) -> (i32, i32) {
    %c0_i32 = arith.constant 0 : i32
    %c0_i32_0 = arith.constant 0 : i32
    %c0_i32_1 = arith.constant 0 : i32
    return %c0_i32, %c0_i32_0 : i32, i32
  }
  func.func @transform_4(%arg0: i32) -> (i32, i32) {
    %c0_i32 = arith.constant 0 : i32
    %c0_i32_0 = arith.constant 0 : i32
    %c0_i32_1 = arith.constant 0 : i32
    return %c0_i32, %c0_i32_0 : i32, i32
  }
  func.func @transform_5(%arg0: i32) -> (i32, i32) {
    %c0_i32 = arith.constant 0 : i32
    %c0_i32_0 = arith.constant 0 : i32
    return %arg0, %c0_i32 : i32, i32
  }
}

module attributes {stable_mosaic.version = 14 : i64} {
  func.func @_mlp_body(%arg0: i32, %arg1: memref<2000x128xf32, #tpu.memory_space<vmem>>, %arg2: memref<2000x128xf32, #tpu.memory_space<vmem>>, %arg3: memref<2000x128xf32, #tpu.memory_space<vmem>>, %arg4: memref<128x128xf32, #tpu.memory_space<vmem>>, %arg5: memref<1x128xf32, #tpu.memory_space<vmem>>, %arg6: memref<2000x128xf32, #tpu.memory_space<vmem>>) attributes {dimension_semantics = [#tpu.dimension_semantics<arbitrary>], iteration_bounds = array<i64: 5>, scalar_prefetch = 0 : i64, scratch_operands = 0 : i64, tpu.core_type = #tpu.core_type<tc>, window_params = [{transform_indices = @transform_0, window_bounds = array<i64: 2000, 128>}, {transform_indices = @transform_1, window_bounds = array<i64: 2000, 128>}, {transform_indices = @transform_2, window_bounds = array<i64: 2000, 128>}, {pipeline_mode = #tpu.pipeline_mode<synchronous>, transform_indices = @transform_3, window_bounds = array<i64: 128, 128>}, {pipeline_mode = #tpu.pipeline_mode<synchronous>, transform_indices = @transform_4, window_bounds = array<i64: 1, 128>}, {transform_indices = @transform_5, window_bounds = array<i64: 2000, 128>}]} {
    %get3A = arith.constant 0 : index
    %get3A_0 = arith.constant 0 : index
    %get3A_1 = vector.load %arg1[%get3A, %get3A_0] : memref<2000x128xf32, #tpu.memory_space<vmem>>, vector<2000x128xf32>
    %get3A_2 = arith.constant 0 : index
    %get3A_3 = arith.constant 0 : index
    %get3A_4 = vector.load %arg2[%get3A_2, %get3A_3] : memref<2000x128xf32, #tpu.memory_space<vmem>>, vector<2000x128xf32>
    %add3A = arith.addf %get3A_1, %get3A_4 : vector<2000x128xf32>
    %get3A_5 = arith.constant 0 : index
    %get3A_6 = arith.constant 0 : index
    %get3A_7 = vector.load %arg3[%get3A_5, %get3A_6] : memref<2000x128xf32, #tpu.memory_space<vmem>>, vector<2000x128xf32>
    %add3A_8 = arith.addf %add3A, %get3A_7 : vector<2000x128xf32>
    %get3A_9 = arith.constant 0 : index
    %get3A_10 = arith.constant 0 : index
    %get3A_11 = vector.load %arg4[%get3A_9, %get3A_10] : memref<128x128xf32, #tpu.memory_space<vmem>>, vector<128x128xf32>
    %dot_general3A = arith.constant dense<0.000000e+00> : vector<2000x128xf32>
    %dot_general3A_12 = tpu.matmul %add3A_8, %get3A_11, %dot_general3A {dimension_numbers = #tpu.dot_dimension_numbers<[1], [0], [0], [1], [0, 0, 1, 1], [], []>, precision = #tpu.contract_precision<fp32>, transpose_lhs_hint = false} : vector<2000x128xf32>, vector<128x128xf32>, vector<2000x128xf32> -> vector<2000x128xf32>
    %get3A_13 = arith.constant 0 : index
    %get3A_14 = arith.constant 0 : index
    %get3A_15 = vector.load %arg5[%get3A_13, %get3A_14] : memref<1x128xf32, #tpu.memory_space<vmem>>, vector<1x128xf32>
    %add3A_16 = vector.broadcast %get3A_15 : vector<1x128xf32> to vector<2000x128xf32>
    %add3A_17 = arith.addf %dot_general3A_12, %add3A_16 : vector<2000x128xf32>
    %max3A = arith.constant 0.000000e+00 : f32
    %max3A_18 = vector.broadcast %max3A : f32 to vector<2000x128xf32>
    %max3A_19 = arith.maximumf %add3A_17, %max3A_18 : vector<2000x128xf32>
    %swap3A = arith.constant 0 : index
    %swap3A_20 = arith.constant 0 : index
    %swap3A_21 = vector.load %arg6[%swap3A, %swap3A_20] : memref<2000x128xf32, #tpu.memory_space<vmem>>, vector<2000x128xf32>
    tpu.vector_store %arg6[%swap3A, %swap3A_20], %max3A_19 {strides = array<i32>} : memref<2000x128xf32, #tpu.memory_space<vmem>>, vector<2000x128xf32>,
    return
  }
  func.func @transform_0(%arg0: i32) -> (i32, i32) {
    %c0_i32 = arith.constant 0 : i32
    %c0_i32_0 = arith.constant 0 : i32
    return %arg0, %c0_i32 : i32, i32
  }
  func.func @transform_1(%arg0: i32) -> (i32, i32) {
    %c0_i32 = arith.constant 0 : i32
    %c0_i32_0 = arith.constant 0 : i32
    return %arg0, %c0_i32 : i32, i32
  }
  func.func @transform_2(%arg0: i32) -> (i32, i32) {
    %c0_i32 = arith.constant 0 : i32
    %c0_i32_0 = arith.constant 0 : i32
    return %arg0, %c0_i32 : i32, i32
  }
  func.func @transform_3(%arg0: i32) -> (i32, i32) {
    %c0_i32 = arith.constant 0 : i32
    %c0_i32_0 = arith.constant 0 : i32
    %c0_i32_1 = arith.constant 0 : i32
    return %c0_i32, %c0_i32_0 : i32, i32
  }
  func.func @transform_4(%arg0: i32) -> (i32, i32) {
    %c0_i32 = arith.constant 0 : i32
    %c0_i32_0 = arith.constant 0 : i32
    %c0_i32_1 = arith.constant 0 : i32
    return %c0_i32, %c0_i32_0 : i32, i32
  }
  func.func @transform_5(%arg0: i32) -> (i32, i32) {
    %c0_i32 = arith.constant 0 : i32
    %c0_i32_0 = arith.constant 0 : i32
    return %arg0, %c0_i32 : i32, i32
  }
}

</mosaic_0001>

<sc_bundles>
// kernel: kernel.6.cloned.1.call-start
scs
__scs_entry_jumppad:
0x0: {  	(pc) =	sbr.rel $0x88, $3  }
0x1: {  	(tag) =	ssettag $0x0;
	lr =	simm.s32 $0x1  }
0x2: {  	[smem:$0x3F9B] =	sst lr;
	_ =	strace $0xD0000000  }
0x3: {  	_ = 	snop  }
0x4: {  	_ = 	snop  }
0x5: {  	_ = 	snop  }
0x6: {  	_ = 	snop  }
0x7: {  	_ = 	snop  }
__scs_overlays_trampoline_lowered:
0x8: {  	[smem:$0x3FAA] =	sst s0  }
0x9: {  	[smem:$0x3FAB] =	sst s1  }
0xa: {  	[smem:$0x3FAC] =	sst s2  }
0xb: {  	[smem:$0x3FAD] =	sst s3  }
0xc: {  	[smem:$0x3FAE] =	sst s4  }
0xd: {  	[smem:$0x3FAF] =	sst s5  }
0xe: {  	[smem:$0x3FB0] =	sst s6  }
0xf: {  	[smem:$0x3FB1] =	sst s7  }
0x10: {  	[smem:$0x3FB2] =	sst s8  }
0x11: {  	[smem:$0x3FB3] =	sst s9;
	s0 =	simm.s32 @!p0 $0x0  }
0x12: {  	s1 =	sld [smem:$0x3F99];
	s0 =	simm.s32 @p0 $0x1  }
0x13: {  	[smem:$0x3FB4] =	sst s0;
	s0 =	simm.s32 @!p1 $0x0  }
0x14: {  	s2 =	sld [smem:$0x3F98];
	s0 =	simm.s32 @p1 $0x1  }
0x15: {  	[smem:$0x3FB5] =	sst s0;
	s0 =	simm.s32 @!p2 $0x0  }
0x16: {  	s3 =	sld [smem:$0x3FDB];
	s0 =	simm.s32 @p2 $0x1  }
0x17: {  	s4 =	simm.s32 $0x1BF5;
	[smem:$0x3FB7] =	sst s0  }
0x18: {  	s0 =	sld [smem:$0x3F9A];
	_ =	swait.ge [sflag:s4], $0x0  }
0x19: {  	s7 =	sld [smem:$0x3F9B]  }
0x1a: {  	s8 =	sadd.s32 $0xFFFFE003, lr  }
0x1b: {  	s9 =	sadd.s32 $0xFFFFFEF7, lr;
	s5 =	simm.s32 $0xFFFFFFFF;
	p2 =	slt.u32 s8, $0xFFFFF086  }
0x1c: {  	p1 =	slt.u32 s9, $0xF7A;
	s5 =	simm.s32 @!p2 $0x0  }
0x1d: {  	s5 =	simm.s32 @p1 $0x1;
	p0 =	seq.s32 s7, s2  }
0x1e: {  	s7 =	smul.u32 @!p0 $0xF7A, s2;
	p2 =	seq.s32 @!p0 s5, $0x0  }
0x1f: {  	s9 =	smul.u32 $0xF7A, s1;
	s8 =	simm.s32 @!p0 $0x1BF5;
	p2 =	por !p2, p0  }
0x20: {  	[sflag:s8] =	ssyncset.s32 @!p0 $0xFFFFF086;
	s6 =	sadd.s32 @!p0 s3, s7;
	s7 =	simm.s32 @!p0 $0x108  }
0x21: {  	s3 =	sadd.s32 s3, s9;
	s6 =	sadd.s32 @!p0 $0x88, s6;
	s7 =	simm.s32 @p2 $0x1082  }
0x22: {  	[simem:s7], [sflag:s8] =	dma.local @!p0 [hbm:s6], $0xF7A  }
0x23: {  	s9 =	sor.u32 $0xD0000000, s2;
	s6 =	simm.s32 $0x108;
	_ =	swait.ge @!p0 [sflag:s8], $0x0  }
0x24: {  	s3 =	sadd.s32 $0x88, s3;
	s6 =	simm.s32 @!p1 $0x1082;
	[sflag:s4] =	ssyncset.s32 $0xFFFFF086  }
0x25: {  	[simem:s6], [sflag:s4] =	dma.local [hbm:s3], $0xF7A  }
0x26: {  	[smem:$0x3F9B] =	sst s1;
	(tag) =	ssettag s2;
	_ =	strace s9  }
0x27: {  	s1 =	sld [smem:$0x3FAB]  }
0x28: {  	s2 =	sld [smem:$0x3FAC]  }
0x29: {  	s4 =	sld [smem:$0x3FAE]  }
0x2a: {  	p0 =	seq.s32 s5, $0x0;
	s5 =	sld [smem:$0x3FAF]  }
0x2b: {  	s6 =	sld [smem:$0x3FB0]  }
0x2c: {  	s7 =	sld [smem:$0x3FB1]  }
0x2d: {  	s3 =	simm.s32 $0x108;
	s8 =	sld [smem:$0x3FB2]  }
0x2e: {  	s3 =	simm.s32 @!p0 $0x1082;
	s9 =	sld [smem:$0x3FB3]  }
0x2f: {  	lr =	sadd.s32 s0, s3;
	s0 =	sld [smem:$0x3FAA]  }
0x30: {  	s3 =	sld [smem:$0x3FAD]  }
0x31: {  	[smem:$0x3FB6] =	sst s10  }
0x32: {  	s10 =	sld [smem:$0x3FB4];
	_ =	sdelay $0x3  }
0x33: {  	p0 =	seq.s32 s10, $0x1;
	s10 =	sld [smem:$0x3FB6];
	_ =	sdelay $0x3  }
0x34: {  	[smem:$0x3FB6] =	sst s10  }
0x35: {  	s10 =	sld [smem:$0x3FB5];
	_ =	sdelay $0x3  }
0x36: {  	p1 =	seq.s32 s10, $0x1;
	s10 =	sld [smem:$0x3FB6];
	_ =	sdelay $0x3  }
0x37: {  	[smem:$0x3FB6] =	sst s10  }
0x38: {  	s10 =	sld [smem:$0x3FB7]  }
0x39: {  	_ = 	snop;
	(pc) =	sbr.ind lr, $3  }
0x3a: {  	_ = 	snop  }
0x3b: {  	_ = 	snop  }
0x3c: {  	p2 =	seq.s32 s10, $0x1;
	s10 =	sld [smem:$0x3FB6]  }
0x3d: {  	_ =	shalt  }
0x3e: {  	_ =	shalt  }
0x3f: {  	_ =	shalt  }
0x40: {  	_ =	shalt  }
0x41: {  	_ =	shalt  }
0x42: {  	_ =	shalt  }
0x43: {  	_ =	shalt  }
0x44: {  	_ =	shalt  }
0x45: {  	_ =	shalt  }
0x46: {  	_ =	shalt  }
0x47: {  	_ =	shalt  }
0x48: {  	_ =	shalt  }
0x49: {  	_ =	shalt  }
0x4a: {  	_ =	shalt  }
0x4b: {  	_ =	shalt  }
0x4c: {  	_ =	shalt  }
0x4d: {  	_ =	shalt  }
0x4e: {  	_ =	shalt  }
0x4f: {  	_ =	shalt  }
0x50: {  	_ =	shalt  }
0x51: {  	_ =	shalt  }
0x52: {  	_ =	shalt  }
0x53: {  	_ =	shalt  }
0x54: {  	_ =	shalt  }
0x55: {  	_ =	shalt  }
0x56: {  	_ =	shalt  }
0x57: {  	_ =	shalt  }
0x58: {  	_ =	shalt  }
0x59: {  	_ =	shalt  }
0x5a: {  	_ =	shalt  }
0x5b: {  	_ =	shalt  }
0x5c: {  	_ =	shalt  }
0x5d: {  	_ =	shalt  }
0x5e: {  	_ =	shalt  }
0x5f: {  	_ =	shalt  }
0x60: {  	_ =	shalt  }
0x61: {  	_ =	shalt  }
0x62: {  	_ =	shalt  }
0x63: {  	_ =	shalt  }
0x64: {  	_ =	shalt  }
0x65: {  	_ =	shalt  }
0x66: {  	_ =	shalt  }
0x67: {  	_ =	shalt  }
0x68: {  	_ =	shalt  }
0x69: {  	_ =	shalt  }
0x6a: {  	_ =	shalt  }
0x6b: {  	_ =	shalt  }
0x6c: {  	_ =	shalt  }
0x6d: {  	_ =	shalt  }
0x6e: {  	_ =	shalt  }
0x6f: {  	_ =	shalt  }
0x70: {  	_ =	shalt  }
0x71: {  	_ =	shalt  }
0x72: {  	_ =	shalt  }
0x73: {  	_ =	shalt  }
0x74: {  	_ =	shalt  }
0x75: {  	_ =	shalt  }
0x76: {  	_ =	shalt  }
0x77: {  	_ =	shalt  }
0x78: {  	_ =	shalt  }
0x79: {  	_ =	shalt  }
0x7a: {  	_ =	shalt  }
0x7b: {  	_ =	shalt  }
0x7c: {  	_ =	shalt  }
0x7d: {  	_ =	shalt  }
0x7e: {  	_ =	shalt  }
0x7f: {  	_ =	shalt  }
0x80: {  	_ =	shalt  }
0x81: {  	_ =	shalt  }
0x82: {  	_ =	shalt  }
0x83: {  	_ =	shalt  }
0x84: {  	_ =	shalt  }
0x85: {  	_ =	shalt  }
0x86: {  	_ =	shalt  }
0x87: {  	_ =	shalt  }
.Lfunc_end0:
.L_simem_size_0:
called_computation_lowered:
.L_overlay_start_0:
0x88: {  	s2 =	sld [smem:$0x3FD9]  }
0x89: {  	s3 =	sld [smem:$0x3FFE];
	_ =	sdelay $0x1  }
0x8a: {  	s1 =	srdreg.scid  }
0x8b: {  	s0 =	sand.u32 $0x1, s1  }
0x8c: {  	s17 =	sshll.u32 s0, $0xA;
	s2 =	sadd.s32 s3, s2  }
0x8d: {  	s2 =	sadd.s32 s2, s17  }
0x8e: {  	[smem:$0x3FC2] =	sst s2  }
0x8f: {  	_ = 	snop  }
0x90: {  	s2 =	sld [smem:$0x3FC9];
	(tm) =	ssettm $0x1  }
0x91: {  	s18 =	sld [smem:$0x3FFB];
	_ =	sdelay $0x3  }
0x92: {  	_ =	strace s18  }
0x93: {  	s3 =	sld [smem:$0x3FFC];
	_ =	sdelay $0x3  }
0x94: {  	_ =	strace s3  }
0x95: {  	s3 =	sld [smem:$0x3FFD];
	_ =	sdelay $0x3  }
0x96: {  	_ =	strace s3  }
0x97: {  	_ =	strace $0x8FFFFFFF  }
0x98: {  	s19 =	sld [smem:$0x3FDB];
	_ =	sdelay $0x1  }
0x99: {  	s4 =	simm.s32 $_scs_section_size  }
0x9a: {  	s5 =	simm.s32 $_size__tile_overlayer_lowered;
	s6 =	simm.s32 $_tile_overlayer_lowered  }
0x9b: {  	s22 =	simm.s32 $0x1BFF;
	s21 =	sshll.u32 s6, $0x1;
	s3 =	sadd.s32 s4, s19  }
0x9c: {  	s7 =	simm.s32 $0x0;
	s20 =	sshll.u32 s5, $0x1;
	s5 =	sadd.s32 s21, s3  }
0x9d: {  	[timem:s7], [sflag:s22] =	dma.local [hbm:s5], s20  }
0x9e: {  	_ =	swait.ge [sflag:s22], s20  }
0x9f: {  	s4 =	ssub.s32 $0x0, s20;
	[sflag:s22] =	ssyncset.done $0x0  }
0xa0: {  	[sflag:s22] =	ssyncadd.s32 s4;
	_ =	sdelay $0x1  }
0xa1: {  	s23 =	simm.s32 $0x1B8B  }
0xa2: {  	_ =	swait.ge [sflag:s23], $0x1  }
0xa3: {  	[sflag:s23] =	ssyncset.done $0x0  }
0xa4: {  	s25 =	simm.s32 $0x1B8E;
	s24 =	sld [smem:$0x3FFE];
	[sflag:s23] =	ssyncadd.s32 $0xFFFFFFFF  }
0xa5: {  	s26 =	simm.s32 $execute0_lowered;
	[smem:$0x3FD2] =	sst s25  }
0xa6: {  	s5 =	sshll.u32 s26, $0x1;
	_ =	strace $0x80000046;
	[dreg:$0x1] =	wrdreg $0xFFFFFFFF  }
0xa7: {  	s28 =	simm.s32 $_size_execute0_lowered;
	s3 =	sadd.s32 s3, s5;
	[dreg:$0x0] =	wrdreg $0x0  }
0xa8: {  	s5 =	sshll.u32 s28, $0x1;
	[dreg:$0x2] =	wrdreg s3  }
0xa9: {  	[dreg:$0x3] =	wrdreg s5  }
0xaa: {  	[dreg:$0x4] =	wrdreg $0xC0  }
0xab: {  	_ =	task [dreg:s7], $0x5FFFF  }
0xac: {  	[dreg:$0x1] =	wrdreg $0xFFFFFFFF  }
0xad: {  	[dreg:$0x0] =	wrdreg $0x60  }
0xae: {  	[dreg:$0x2] =	wrdreg s2  }
0xaf: {  	[dreg:$0x3] =	wrdreg s24  }
0xb0: {  	[dreg:$0x4] =	wrdreg $0xB0000  }
0xb1: {  	[dreg:$0x5] =	wrdreg $0x9  }
0xb2: {  	_ =	task.clear_ibuf [dreg:s7], $0x6FFFF;
	_ =	strace $0x90000046  }
0xb3: {  	s29 =	simm.s32 $0x9;
	_ =	strace $0x80000048  }
0xb4: {  	_ =	swait.ge [sflag:s29], $0x1  }
0xb5: {  	[sflag:s29] =	ssyncadd.s32 $0xFFFFFFFF  }
0xb6: {  	_ =	strace $0x90000048  }
0xb7: {  	_ =	sfence  }
0xb8: {  	s30 =	sld [smem:$0x0];
	_ =	sdelay $0x2  }
0xb9: {  	s31 =	sshll.u32 s1, $0xD;
	s1 =	sshrl.u32 s1, $0x2  }
0xba: {  	s3 =	sand.u32 $0x4000, s31;
	s1 =	sadd.s32 s1, s30  }
0xbb: {  	s0 =	sor.u32 s3, s0;
	s1 =	sshll.u32 s1, $0x11  }
0xbc: {  	s0 =	sor.u32 s1, s0  }
0xbd: {  	s0 =	sadd.s32 $0x8F2B, s0  }
0xbe: {  	[sflag:s0] =	ssyncadd.remote.s32 $0x1  }
0xbf: {  	_ =	sfence.sel $0xFFFF  }
0xc0: {  	[dreg:$0x0] =	wrdreg $0xFFFFFFFF;
	(pc) =	sbr.abs _section_cstart, $3  }
0xc1: {  	[dreg:$0x1] =	wrdreg $0xFFFFFFFF  }
0xc2: {  	_ =	task.clear_ibuf [dreg:s7], $0x2FFFF;
	_ =	strace $0x9FFFFFFF  }
0xc3: {  	(tm) =	ssettm $0x7FFFFFFF  }
tec
execute0_lowered:
.L_overlay_start_1:
0x0: {  	(tag) =	ssettag $0x1  }
0x1: {  	s1 =	rddreg [dreg:$0x0]  }
0x2: {  	s5 =	rddreg [dreg:$0x1]  }
0x3: {  	s2 =	rddreg [dreg:$0x2];
	s3 =	srdreg.scid  }
0x4: {  	s4 =	simm.s32 $0x0;
	s19 =	simm.s32 $0x2800;
	s20 =	simm.s32 $0x9000  }
0x5: {  	s21 =	simm.s32 $0x1;
	s22 =	simm.s32 $0x80;
	s23 =	simm.s32 $0x5000  }
0x6: {  	s24 =	simm.s32 $0x2;
	s25 =	simm.s32 $0x3;
	s26 =	simm.s32 $0x4  }
0x7: {  	s28 =	simm.s32 $0x0;
	s6 =	sand.u32 $0x1, s3;
	s3 =	stileid.u32  }
0x8: {  	[smem:$0x7FF] =	sst s4;
	s7 =	smul.u32 $0x140000, s6;
	s8 =	sshll.u32 s6, $0x4  }
0x9: {  	s9 =	smul.u32 $0x14000, s3;
	_ =	strace $0x80000047;
	s6 =	ssub.s32 $0x2, s6  }
0xa: {  	s10 =	smul.u32 $0x50000, s3;
	s8 =	sor.u32 s3, s8;
	s30 =	sshrl.u32 s6, $0x1  }
0xb: {  	s8 =	smul.u32 $0x500, s8;
	s7 =	sadd.s32 s9, s7;
	s9 =	ssub.s32 s6, s30  }
0xc: {  	s31 =	sshrl.u32 s10, $0x2;
	s7 =	sshrl.u32 s7, $0x3;
	s9 =	smax.u32 s9, $0x1  }
0xd: {  	s8 =	sadd.s32 s8, s5;
	s11 =	sadd.s32 s7, s5;
	s7 =	sadd.s32 s31, s2  }
0xe: {  	s5 =	sadd.s32 $0xB800, s8;
	s6 =	sadd.s32 $0x1800, s8;
	s8 =	sadd.s32 $0x15800, s11  }
0xf: {  	s10 =	sadd.s32 $0x2000, s7;
	s11 =	sadd.s32 $0x4000, s7;
	s12 =	sadd.s32 $0x6000, s7  }
0x10: {  	s13 =	sadd.s32 $0x8000, s7;
	s14 =	sadd.s32 $0xA000, s7;
	s15 =	sadd.s32 $0xC000, s7  }
0x11: {  	v0 =	vimm.f32 $0.0e+00;
	s16 =	sadd.s32 $0xE000, s7;
	s17 =	sadd.s32 $0x10000, s7;
	s18 =	sadd.s32 $0x12000, s7  }
.LBB2_1:
0x12: {  	[tilespmem:s4], [sflag:$0x1] =	stream.linear.gather [hbm4b:s5+s4], $0x2780, $0x38;
	[tilespmem:$0x1F000] =	vst v63  }
0x13: {  	s29 =	simm.s32 $0x0;
	s30 =	simm.s32 $0x200  }
0x14: {  	[tilespmem:s19], [sflag:$0x1] =	stream.linear.gather [hbm4b:s6+s4], $0x2780, $0x38;
	[tilespmem:$0x1F000] =	vst v63  }
.LBB2_2:
0x15: {  	p0 =	sne.s32 s30, $0x7E00;
	[tilespmem:s29+$0x9070] =	vst v0  }
0x16: {  	[tilespmem:s29+$0x9000] =	vst v0  }
0x17: {  	[tilespmem:s29+$0x9010] =	vst v0  }
.Ltmp0:
0x18: {  	[tilespmem:s29+$0x9020] =	vst v0;
	(pc) =	sbr.rel @p0 .LBB2_2-.Ltmp0, $4  }
0x19: {  	[tilespmem:s29+$0x9030] =	vst v0  }
0x1a: {  	[tilespmem:s29+$0x9040] =	vst v0  }
0x1b: {  	[tilespmem:s29+$0x9050] =	vst v0  }
0x1c: {  	[tilespmem:s29+$0x9060] =	vst v0;
	s29 =	sshra.s32 s30, $0x2;
	s30 =	sadd.s32 $0x200, s30  }
0x1d: {  	[tilespmem:s29+$0x9070] =	vst v0  }
0x1e: {  	[tilespmem:s29+$0x9000] =	vst v0  }
0x1f: {  	[tilespmem:s29+$0x9010] =	vst v0  }
0x20: {  	[tilespmem:s29+$0x9020] =	vst v0  }
0x21: {  	[tilespmem:s29+$0x9030] =	vst v0  }
0x22: {  	[tilespmem:s29+$0x9040] =	vst v0  }
0x23: {  	[tilespmem:s29+$0x9050] =	vst v0  }
0x24: {  	[tilespmem:s29+$0x9060] =	vst v0  }
0x25: {  	[spmem:s7] =	stream.linear.scatter [tilespmem:s20], [sflag:$0x2], $0x2000, $0x38;
	[tilespmem:$0x1F000] =	vst v63  }
0x26: {  	_ = 	snop  }
0x27: {  	[spmem:s10] =	stream.linear.scatter [tilespmem:s20], [sflag:$0x2], $0x2000, $0x38;
	[tilespmem:$0x1F000] =	vst v63  }
0x28: {  	_ = 	snop  }
0x29: {  	[spmem:s11] =	stream.linear.scatter [tilespmem:s20], [sflag:$0x2], $0x2000, $0x38;
	[tilespmem:$0x1F000] =	vst v63  }
0x2a: {  	_ = 	snop  }
0x2b: {  	[spmem:s12] =	stream.linear.scatter [tilespmem:s20], [sflag:$0x2], $0x2000, $0x38;
	[tilespmem:$0x1F000] =	vst v63  }
0x2c: {  	_ = 	snop  }
0x2d: {  	[spmem:s13] =	stream.linear.scatter [tilespmem:s20], [sflag:$0x2], $0x2000, $0x38;
	[tilespmem:$0x1F000] =	vst v63  }
0x2e: {  	_ = 	snop  }
0x2f: {  	[spmem:s14] =	stream.linear.scatter [tilespmem:s20], [sflag:$0x2], $0x2000, $0x38;
	[tilespmem:$0x1F000] =	vst v63  }
0x30: {  	_ = 	snop  }
0x31: {  	[spmem:s15] =	stream.linear.scatter [tilespmem:s20], [sflag:$0x2], $0x2000, $0x38;
	[tilespmem:$0x1F000] =	vst v63  }
0x32: {  	_ = 	snop  }
0x33: {  	[spmem:s16] =	stream.linear.scatter [tilespmem:s20], [sflag:$0x2], $0x2000, $0x38;
	[tilespmem:$0x1F000] =	vst v63  }
0x34: {  	_ = 	snop  }
0x35: {  	[spmem:s17] =	stream.linear.scatter [tilespmem:s20], [sflag:$0x2], $0x2000, $0x38;
	[tilespmem:$0x1F000] =	vst v63  }
0x36: {  	_ = 	snop  }
0x37: {  	[spmem:s18] =	stream.linear.scatter [tilespmem:s20], [sflag:$0x2], $0x2000, $0x38;
	[tilespmem:$0x1F000] =	vst v63  }
0x38: {  	_ =	swait.ge [sflag:s21], $0x2780  }
0x39: {  	[sflag:s21] =	ssyncset.done $0x0  }
0x3a: {  	[sflag:s21] =	ssyncadd.s32 $0xFFFFD880  }
0x3b: {  	_ =	swait.ge [sflag:s21], $0x2780  }
0x3c: {  	[sflag:s21] =	ssyncset.done $0x0  }
0x3d: {  	[sflag:s21] =	ssyncadd.s32 $0xFFFFD880  }
0x3e: {  	[tilespmem:s23], [sflag:$0x3] =	stream.indirect.gather [hbm4b:s1+s22], $0x80, s4, s22, $0xb8;
	[tilespmem:$0x1F000] =	vst v63  }
0x3f: {  	_ =	swait.ge [sflag:s24], $0x2000  }
0x40: {  	[sflag:s24] =	ssyncset.done $0x0  }
0x41: {  	[sflag:s24] =	ssyncadd.s32 $0xFFFFE000  }
0x42: {  	_ =	swait.ge [sflag:s24], $0x2000  }
0x43: {  	[sflag:s24] =	ssyncset.done $0x0  }
0x44: {  	[sflag:s24] =	ssyncadd.s32 $0xFFFFE000  }
0x45: {  	_ =	swait.ge [sflag:s24], $0x2000  }
0x46: {  	[sflag:s24] =	ssyncset.done $0x0  }
0x47: {  	[sflag:s24] =	ssyncadd.s32 $0xFFFFE000  }
0x48: {  	_ =	swait.ge [sflag:s24], $0x2000  }
0x49: {  	[sflag:s24] =	ssyncset.done $0x0  }
0x4a: {  	[sflag:s24] =	ssyncadd.s32 $0xFFFFE000  }
0x4b: {  	_ =	swait.ge [sflag:s24], $0x2000  }
0x4c: {  	[sflag:s24] =	ssyncset.done $0x0  }
0x4d: {  	[sflag:s24] =	ssyncadd.s32 $0xFFFFE000  }
0x4e: {  	_ =	swait.ge [sflag:s24], $0x2000  }
0x4f: {  	[sflag:s24] =	ssyncset.done $0x0  }
0x50: {  	[sflag:s24] =	ssyncadd.s32 $0xFFFFE000  }
0x51: {  	_ =	swait.ge [sflag:s24], $0x2000  }
0x52: {  	[sflag:s24] =	ssyncset.done $0x0  }
0x53: {  	[sflag:s24] =	ssyncadd.s32 $0xFFFFE000  }
0x54: {  	_ =	swait.ge [sflag:s24], $0x2000  }
0x55: {  	[sflag:s24] =	ssyncset.done $0x0  }
0x56: {  	[sflag:s24] =	ssyncadd.s32 $0xFFFFE000  }
0x57: {  	_ =	swait.ge [sflag:s24], $0x2000  }
0x58: {  	[sflag:s24] =	ssyncset.done $0x0  }
0x59: {  	[sflag:s24] =	ssyncadd.s32 $0xFFFFE000  }
0x5a: {  	_ =	swait.ge [sflag:s24], $0x2000  }
0x5b: {  	[sflag:s24] =	ssyncset.done $0x0  }
0x5c: {  	[sflag:s24] =	ssyncadd.s32 $0xFFFFE000  }
0x5d: {  	[bflag:$0x0] =	sbarrier.arrive $0xFFFF  }
0x5e: {  	_ =	swait.ge [sflag:s25], $0x4000  }
0x5f: {  	[sflag:s25] =	ssyncset.done $0x0  }
0x60: {  	[sflag:s25] =	ssyncadd.s32 $0xFFFFC000  }
0x61: {  	[spmem:s2] =	stream.indirect.scatter.add.f32 [tilespmem:s23], [sflag:$0x4], $0x80, s19, s22, $0xb8;
	[tilespmem:$0x1F000] =	vst v63  }
0x62: {  	_ =	swait.ge [sflag:s26], $0x4000  }
0x63: {  	[sflag:s26] =	ssyncset.done $0x0  }
0x64: {  	s29 =	simm.s32 $0x80;
	[sflag:s26] =	ssyncadd.s32 $0xFFFFC000  }
0x65: {  	[tilespmem:s23], [sflag:$0x4] =	stream.indirect.gather [hbm4b:s1+s22], $0x80, s29, s22, $0xb8;
	[tilespmem:$0x1F000] =	vst v63  }
0x66: {  	_ =	swait.ge [sflag:s26], $0x4000  }
0x67: {  	[sflag:s26] =	ssyncset.done $0x0  }
0x68: {  	s29 =	simm.s32 $0x2880;
	[sflag:s26] =	ssyncadd.s32 $0xFFFFC000  }
0x69: {  	[spmem:s2] =	stream.indirect.scatter.add.f32 [tilespmem:s23], [sflag:$0x4], $0x80, s29, s22, $0xb8;
	[tilespmem:$0x1F000] =	vst v63  }
0x6a: {  	_ =	swait.ge [sflag:s26], $0x4000  }
0x6b: {  	s30 =	simm.s32 $0x600;
	s29 =	simm.s32 $0x400;
	[sflag:s26] =	ssyncset.done $0x0  }
.LBB2_4:
0x6c: {  	s31 =	sshra.s32 s29, $0x2  }
0x6d: {  	[sflag:s26] =	ssyncadd.s32 $0xFFFFC000;
	s29 =	smov.u32 s30;
	s0 =	sadd.s32 $0x200, s30  }
0x6e: {  	[tilespmem:s23], [sflag:$0x4] =	stream.indirect.gather [hbm4b:s1+s22], $0x80, s31, s22, $0xb8;
	[tilespmem:$0x1F000] =	vst v63  }
0x6f: {  	p0 =	sne.s32 s30, $0x9C00;
	_ =	swait.ge [sflag:s26], $0x4000  }
.Ltmp1:
0x70: {  	[sflag:s26] =	ssyncset.done $0x0;
	(pc) =	sbr.rel @p0 .LBB2_4-.Ltmp1, $4  }
0x71: {  	s30 =	sadd.s32 $0x2800, s31;
	[sflag:s26] =	ssyncadd.s32 $0xFFFFC000  }
0x72: {  	[spmem:s2] =	stream.indirect.scatter.add.f32 [tilespmem:s23], [sflag:$0x4], $0x80, s30, s22, $0xb8;
	[tilespmem:$0x1F000] =	vst v63  }
0x73: {  	_ =	swait.ge [sflag:s26], $0x4000  }
0x74: {  	s30 =	smov.u32 s0;
	[sflag:s26] =	ssyncset.done $0x0  }
0x75: {  	s0 =	sshra.s32 s29, $0x2;
	[sflag:s26] =	ssyncadd.s32 $0xFFFFC000  }
0x76: {  	[tilespmem:s23], [sflag:$0x4] =	stream.indirect.gather [hbm4b:s1+s22], $0x80, s0, s22, $0xb8;
	[tilespmem:$0x1F000] =	vst v63  }
0x77: {  	_ =	swait.ge [sflag:s26], $0x4000  }
0x78: {  	[sflag:s26] =	ssyncset.done $0x0  }
0x79: {  	s0 =	sadd.s32 $0x2800, s0;
	[sflag:s26] =	ssyncadd.s32 $0xFFFFC000  }
0x7a: {  	[spmem:s2] =	stream.indirect.scatter.add.f32 [tilespmem:s23], [sflag:$0x4], $0x80, s0, s22, $0xb8;
	[tilespmem:$0x1F000] =	vst v63  }
0x7b: {  	_ =	swait.ge [sflag:s26], $0x4000  }
0x7c: {  	s30 =	sshll.u32 s3, $0x6;
	s28 =	sadd.s32 $0x1, s28;
	[sflag:s26] =	ssyncset.done $0x0  }
0x7d: {  	s31 =	sshrl.u32 s7, $0x3;
	p0 =	sne.s32 s28, s9;
	[sflag:s26] =	ssyncadd.s32 $0xFFFFC000  }
.Ltmp2:
0x7e: {  	s0 =	sor.u32 $0x1C04, s30;
	[bflag:$0x0] =	sbarrier.arrive $0xFFFF;
	(pc) =	sbr.rel @p0 .LBB2_1-.Ltmp2, $4  }
0x7f: {  	[hbm:s8], [sflag:s0] =	dma.local [spmem:s31], $0x2800  }
0x80: {  	_ =	swait.ge [sflag:s26], $0x2800  }
0x81: {  	[sflag:s26] =	ssyncset.done $0x0  }
0x82: {  	[sflag:s26] =	ssyncadd.s32 $0xFFFFD800  }
0x83: {  	_ =	sfence.sel $0x180000  }
0x84: {  	[bflag:$0x0] =	sbarrier.arrive $0xFFFF  }
0x85: {  	_ =	strace $0x90000047  }
0x86: {  	[bflag:$0x2] =	sbarrier.arrive $0xFFFF  }
0x87: {  	p0 =	sne.s32 s3, $0x0;
	s0 =	rddreg [dreg:$0x3]  }
0x88: {  	s0 =	sadd.s32 @!p0 $0x100000, s0  }
0x89: {  	[sflag:s0] =	ssyncadd.tile.s32 @!p0 $0x1;
	_ =	shalt  }
.Lfunc_end2:
_tile_overlayer_lowered:
.L_overlay_start_2:
0x8a: {  	(tag) =	ssettag $0x2  }
0x8b: {  	s0 =	rddreg [dreg:$0x0];
	s2 =	stileid.u32  }
0x8c: {  	s1 =	rddreg [dreg:$0x1];
	p0 =	sne.s32 s2, $0x0  }
0x8d: {  	s3 =	rddreg [dreg:$0x2];
	[bflag:$0x3] =	sbarrier.arrive $0xFFFF;
	s2 =	simm.s32 @!p0 $0x1C04  }
0x8e: {  	[timem:s3], [sflag:s2] =	dma.local @!p0 [hbm:s0], s1  }
0x8f: {  	s0 =	simm.s32 @!p0 $0x4  }
0x90: {  	_ =	swait.ge @!p0 [sflag:s0], s1  }
0x91: {  	s1 =	ssub.s32 @!p0 $0x0, s1;
	[sflag:s0] =	ssyncset.done @!p0 $0x0  }
0x92: {  	[sflag:s0] =	ssyncadd.s32 @!p0 s1  }
0x93: {  	[bflag:$0x3] =	sbarrier.arrive $0xFFFF  }
0x94: {  	_ =	shalt  }

// kernel: kernel.9.cloned.1.call-start
scs
__scs_entry_jumppad:
0x0: {  	(pc) =	sbr.rel $0x88, $3  }
0x1: {  	(tag) =	ssettag $0x0;
	lr =	simm.s32 $0x1  }
0x2: {  	[smem:$0x3F9B] =	sst lr;
	_ =	strace $0xD0000000  }
0x3: {  	_ = 	snop  }
0x4: {  	_ = 	snop  }
0x5: {  	_ = 	snop  }
0x6: {  	_ = 	snop  }
0x7: {  	_ = 	snop  }
__scs_overlays_trampoline_lowered:
0x8: {  	[smem:$0x3FAA] =	sst s0  }
0x9: {  	[smem:$0x3FAB] =	sst s1  }
0xa: {  	[smem:$0x3FAC] =	sst s2  }
0xb: {  	[smem:$0x3FAD] =	sst s3  }
0xc: {  	[smem:$0x3FAE] =	sst s4  }
0xd: {  	[smem:$0x3FAF] =	sst s5  }
0xe: {  	[smem:$0x3FB0] =	sst s6  }
0xf: {  	[smem:$0x3FB1] =	sst s7  }
0x10: {  	[smem:$0x3FB2] =	sst s8  }
0x11: {  	[smem:$0x3FB3] =	sst s9;
	s0 =	simm.s32 @!p0 $0x0  }
0x12: {  	s1 =	sld [smem:$0x3F99];
	s0 =	simm.s32 @p0 $0x1  }
0x13: {  	[smem:$0x3FB4] =	sst s0;
	s0 =	simm.s32 @!p1 $0x0  }
0x14: {  	s2 =	sld [smem:$0x3F98];
	s0 =	simm.s32 @p1 $0x1  }
0x15: {  	[smem:$0x3FB5] =	sst s0;
	s0 =	simm.s32 @!p2 $0x0  }
0x16: {  	s3 =	sld [smem:$0x3FDB];
	s0 =	simm.s32 @p2 $0x1  }
0x17: {  	s4 =	simm.s32 $0x1BF5;
	[smem:$0x3FB7] =	sst s0  }
0x18: {  	s0 =	sld [smem:$0x3F9A];
	_ =	swait.ge [sflag:s4], $0x0  }
0x19: {  	s7 =	sld [smem:$0x3F9B]  }
0x1a: {  	s8 =	sadd.s32 $0xFFFFE003, lr  }
0x1b: {  	s9 =	sadd.s32 $0xFFFFFEF7, lr;
	s5 =	simm.s32 $0xFFFFFFFF;
	p2 =	slt.u32 s8, $0xFFFFF086  }
0x1c: {  	p1 =	slt.u32 s9, $0xF7A;
	s5 =	simm.s32 @!p2 $0x0  }
0x1d: {  	s5 =	simm.s32 @p1 $0x1;
	p0 =	seq.s32 s7, s2  }
0x1e: {  	s7 =	smul.u32 @!p0 $0xF7A, s2;
	p2 =	seq.s32 @!p0 s5, $0x0  }
0x1f: {  	s9 =	smul.u32 $0xF7A, s1;
	s8 =	simm.s32 @!p0 $0x1BF5;
	p2 =	por !p2, p0  }
0x20: {  	[sflag:s8] =	ssyncset.s32 @!p0 $0xFFFFF086;
	s6 =	sadd.s32 @!p0 s3, s7;
	s7 =	simm.s32 @!p0 $0x108  }
0x21: {  	s3 =	sadd.s32 s3, s9;
	s6 =	sadd.s32 @!p0 $0x88, s6;
	s7 =	simm.s32 @p2 $0x1082  }
0x22: {  	[simem:s7], [sflag:s8] =	dma.local @!p0 [hbm:s6], $0xF7A  }
0x23: {  	s9 =	sor.u32 $0xD0000000, s2;
	s6 =	simm.s32 $0x108;
	_ =	swait.ge @!p0 [sflag:s8], $0x0  }
0x24: {  	s3 =	sadd.s32 $0x88, s3;
	s6 =	simm.s32 @!p1 $0x1082;
	[sflag:s4] =	ssyncset.s32 $0xFFFFF086  }
0x25: {  	[simem:s6], [sflag:s4] =	dma.local [hbm:s3], $0xF7A  }
0x26: {  	[smem:$0x3F9B] =	sst s1;
	(tag) =	ssettag s2;
	_ =	strace s9  }
0x27: {  	s1 =	sld [smem:$0x3FAB]  }
0x28: {  	s2 =	sld [smem:$0x3FAC]  }
0x29: {  	s4 =	sld [smem:$0x3FAE]  }
0x2a: {  	p0 =	seq.s32 s5, $0x0;
	s5 =	sld [smem:$0x3FAF]  }
0x2b: {  	s6 =	sld [smem:$0x3FB0]  }
0x2c: {  	s7 =	sld [smem:$0x3FB1]  }
0x2d: {  	s3 =	simm.s32 $0x108;
	s8 =	sld [smem:$0x3FB2]  }
0x2e: {  	s3 =	simm.s32 @!p0 $0x1082;
	s9 =	sld [smem:$0x3FB3]  }
0x2f: {  	lr =	sadd.s32 s0, s3;
	s0 =	sld [smem:$0x3FAA]  }
0x30: {  	s3 =	sld [smem:$0x3FAD]  }
0x31: {  	[smem:$0x3FB6] =	sst s10  }
0x32: {  	s10 =	sld [smem:$0x3FB4];
	_ =	sdelay $0x3  }
0x33: {  	p0 =	seq.s32 s10, $0x1;
	s10 =	sld [smem:$0x3FB6];
	_ =	sdelay $0x3  }
0x34: {  	[smem:$0x3FB6] =	sst s10  }
0x35: {  	s10 =	sld [smem:$0x3FB5];
	_ =	sdelay $0x3  }
0x36: {  	p1 =	seq.s32 s10, $0x1;
	s10 =	sld [smem:$0x3FB6];
	_ =	sdelay $0x3  }
0x37: {  	[smem:$0x3FB6] =	sst s10  }
0x38: {  	s10 =	sld [smem:$0x3FB7]  }
0x39: {  	_ = 	snop;
	(pc) =	sbr.ind lr, $3  }
0x3a: {  	_ = 	snop  }
0x3b: {  	_ = 	snop  }
0x3c: {  	p2 =	seq.s32 s10, $0x1;
	s10 =	sld [smem:$0x3FB6]  }
0x3d: {  	_ =	shalt  }
0x3e: {  	_ =	shalt  }
0x3f: {  	_ =	shalt  }
0x40: {  	_ =	shalt  }
0x41: {  	_ =	shalt  }
0x42: {  	_ =	shalt  }
0x43: {  	_ =	shalt  }
0x44: {  	_ =	shalt  }
0x45: {  	_ =	shalt  }
0x46: {  	_ =	shalt  }
0x47: {  	_ =	shalt  }
0x48: {  	_ =	shalt  }
0x49: {  	_ =	shalt  }
0x4a: {  	_ =	shalt  }
0x4b: {  	_ =	shalt  }
0x4c: {  	_ =	shalt  }
0x4d: {  	_ =	shalt  }
0x4e: {  	_ =	shalt  }
0x4f: {  	_ =	shalt  }
0x50: {  	_ =	shalt  }
0x51: {  	_ =	shalt  }
0x52: {  	_ =	shalt  }
0x53: {  	_ =	shalt  }
0x54: {  	_ =	shalt  }
0x55: {  	_ =	shalt  }
0x56: {  	_ =	shalt  }
0x57: {  	_ =	shalt  }
0x58: {  	_ =	shalt  }
0x59: {  	_ =	shalt  }
0x5a: {  	_ =	shalt  }
0x5b: {  	_ =	shalt  }
0x5c: {  	_ =	shalt  }
0x5d: {  	_ =	shalt  }
0x5e: {  	_ =	shalt  }
0x5f: {  	_ =	shalt  }
0x60: {  	_ =	shalt  }
0x61: {  	_ =	shalt  }
0x62: {  	_ =	shalt  }
0x63: {  	_ =	shalt  }
0x64: {  	_ =	shalt  }
0x65: {  	_ =	shalt  }
0x66: {  	_ =	shalt  }
0x67: {  	_ =	shalt  }
0x68: {  	_ =	shalt  }
0x69: {  	_ =	shalt  }
0x6a: {  	_ =	shalt  }
0x6b: {  	_ =	shalt  }
0x6c: {  	_ =	shalt  }
0x6d: {  	_ =	shalt  }
0x6e: {  	_ =	shalt  }
0x6f: {  	_ =	shalt  }
0x70: {  	_ =	shalt  }
0x71: {  	_ =	shalt  }
0x72: {  	_ =	shalt  }
0x73: {  	_ =	shalt  }
0x74: {  	_ =	shalt  }
0x75: {  	_ =	shalt  }
0x76: {  	_ =	shalt  }
0x77: {  	_ =	shalt  }
0x78: {  	_ =	shalt  }
0x79: {  	_ =	shalt  }
0x7a: {  	_ =	shalt  }
0x7b: {  	_ =	shalt  }
0x7c: {  	_ =	shalt  }
0x7d: {  	_ =	shalt  }
0x7e: {  	_ =	shalt  }
0x7f: {  	_ =	shalt  }
0x80: {  	_ =	shalt  }
0x81: {  	_ =	shalt  }
0x82: {  	_ =	shalt  }
0x83: {  	_ =	shalt  }
0x84: {  	_ =	shalt  }
0x85: {  	_ =	shalt  }
0x86: {  	_ =	shalt  }
0x87: {  	_ =	shalt  }
.Lfunc_end0:
.L_simem_size_0:
called_computation.1_lowered:
.L_overlay_start_0:
0x88: {  	s2 =	sld [smem:$0x3FD9]  }
0x89: {  	s3 =	sld [smem:$0x3FFE];
	_ =	sdelay $0x1  }
0x8a: {  	s1 =	srdreg.scid  }
0x8b: {  	s0 =	sand.u32 $0x1, s1  }
0x8c: {  	s17 =	sshll.u32 s0, $0xA;
	s2 =	sadd.s32 s3, s2  }
0x8d: {  	s2 =	sadd.s32 s2, s17  }
0x8e: {  	[smem:$0x3FC2] =	sst s2  }
0x8f: {  	_ = 	snop  }
0x90: {  	s2 =	sld [smem:$0x3FD0];
	(tm) =	ssettm $0x1  }
0x91: {  	s18 =	sld [smem:$0x3FFB];
	_ =	sdelay $0x3  }
0x92: {  	_ =	strace s18  }
0x93: {  	s3 =	sld [smem:$0x3FFC];
	_ =	sdelay $0x3  }
0x94: {  	_ =	strace s3  }
0x95: {  	s3 =	sld [smem:$0x3FFD];
	_ =	sdelay $0x3  }
0x96: {  	_ =	strace s3  }
0x97: {  	_ =	strace $0x8FFFFFFF  }
0x98: {  	s19 =	sld [smem:$0x3FDB];
	_ =	sdelay $0x1  }
0x99: {  	s4 =	simm.s32 $_scs_section_size  }
0x9a: {  	s5 =	simm.s32 $_size__tile_overlayer_lowered;
	s6 =	simm.s32 $_tile_overlayer_lowered  }
0x9b: {  	s22 =	simm.s32 $0x1BFF;
	s21 =	sshll.u32 s6, $0x1;
	s3 =	sadd.s32 s4, s19  }
0x9c: {  	s7 =	simm.s32 $0x0;
	s20 =	sshll.u32 s5, $0x1;
	s5 =	sadd.s32 s21, s3  }
0x9d: {  	[timem:s7], [sflag:s22] =	dma.local [hbm:s5], s20  }
0x9e: {  	_ =	swait.ge [sflag:s22], s20  }
0x9f: {  	s4 =	ssub.s32 $0x0, s20;
	[sflag:s22] =	ssyncset.done $0x0  }
0xa0: {  	[sflag:s22] =	ssyncadd.s32 s4;
	_ =	sdelay $0x1  }
0xa1: {  	s23 =	simm.s32 $0x1B8B  }
0xa2: {  	_ =	swait.ge [sflag:s23], $0x1  }
0xa3: {  	[sflag:s23] =	ssyncset.done $0x0  }
0xa4: {  	s25 =	simm.s32 $0x1B8E;
	s24 =	sld [smem:$0x3FFE];
	[sflag:s23] =	ssyncadd.s32 $0xFFFFFFFF  }
0xa5: {  	s26 =	simm.s32 $execute0_lowered;
	[smem:$0x3FD2] =	sst s25  }
0xa6: {  	s5 =	sshll.u32 s26, $0x1;
	_ =	strace $0x80000049;
	[dreg:$0x1] =	wrdreg $0xFFFFFFFF  }
0xa7: {  	s28 =	simm.s32 $_size_execute0_lowered;
	s3 =	sadd.s32 s3, s5;
	[dreg:$0x0] =	wrdreg $0x0  }
0xa8: {  	s5 =	sshll.u32 s28, $0x1;
	[dreg:$0x2] =	wrdreg s3  }
0xa9: {  	[dreg:$0x3] =	wrdreg s5  }
0xaa: {  	[dreg:$0x4] =	wrdreg $0xC0  }
0xab: {  	_ =	task [dreg:s7], $0x5FFFF  }
0xac: {  	[dreg:$0x1] =	wrdreg $0xFFFFFFFF  }
0xad: {  	[dreg:$0x0] =	wrdreg $0x60  }
0xae: {  	[dreg:$0x2] =	wrdreg s2  }
0xaf: {  	[dreg:$0x3] =	wrdreg s24  }
0xb0: {  	[dreg:$0x4] =	wrdreg $0xB0000  }
0xb1: {  	[dreg:$0x5] =	wrdreg $0x9  }
0xb2: {  	_ =	task.clear_ibuf [dreg:s7], $0x6FFFF;
	_ =	strace $0x90000049  }
0xb3: {  	s29 =	simm.s32 $0x9;
	_ =	strace $0x8000004B  }
0xb4: {  	_ =	swait.ge [sflag:s29], $0x1  }
0xb5: {  	[sflag:s29] =	ssyncadd.s32 $0xFFFFFFFF  }
0xb6: {  	_ =	strace $0x9000004B  }
0xb7: {  	_ =	sfence  }
0xb8: {  	s30 =	sld [smem:$0x0];
	_ =	sdelay $0x2  }
0xb9: {  	s31 =	sshll.u32 s1, $0xD;
	s1 =	sshrl.u32 s1, $0x2  }
0xba: {  	s3 =	sand.u32 $0x4000, s31;
	s1 =	sadd.s32 s1, s30  }
0xbb: {  	s0 =	sor.u32 s3, s0;
	s1 =	sshll.u32 s1, $0x11  }
0xbc: {  	s0 =	sor.u32 s1, s0  }
0xbd: {  	s0 =	sadd.s32 $0x8F2B, s0  }
0xbe: {  	[sflag:s0] =	ssyncadd.remote.s32 $0x1  }
0xbf: {  	_ =	sfence.sel $0xFFFF  }
0xc0: {  	[dreg:$0x0] =	wrdreg $0xFFFFFFFF;
	(pc) =	sbr.abs _section_cstart, $3  }
0xc1: {  	[dreg:$0x1] =	wrdreg $0xFFFFFFFF  }
0xc2: {  	_ =	task.clear_ibuf [dreg:s7], $0x2FFFF;
	_ =	strace $0x9FFFFFFF  }
0xc3: {  	(tm) =	ssettm $0x7FFFFFFF  }
tec
execute0_lowered:
.L_overlay_start_1:
0x0: {  	(tag) =	ssettag $0x1  }
0x1: {  	s1 =	rddreg [dreg:$0x0]  }
0x2: {  	s5 =	rddreg [dreg:$0x1]  }
0x3: {  	s2 =	rddreg [dreg:$0x2];
	s3 =	srdreg.scid  }
0x4: {  	s4 =	simm.s32 $0x0;
	s19 =	simm.s32 $0x2800;
	s20 =	simm.s32 $0x9000  }
0x5: {  	s21 =	simm.s32 $0x1;
	s22 =	simm.s32 $0x80;
	s23 =	simm.s32 $0x5000  }
0x6: {  	s24 =	simm.s32 $0x2;
	s25 =	simm.s32 $0x3;
	s26 =	simm.s32 $0x4  }
0x7: {  	s28 =	simm.s32 $0x0;
	s6 =	sand.u32 $0x1, s3;
	s3 =	stileid.u32  }
0x8: {  	[smem:$0x7FF] =	sst s4;
	s7 =	smul.u32 $0x140000, s6;
	s8 =	sshll.u32 s6, $0x4  }
0x9: {  	s9 =	smul.u32 $0x14000, s3;
	_ =	strace $0x8000004A;
	s6 =	ssub.s32 $0x2, s6  }
0xa: {  	s10 =	smul.u32 $0x50000, s3;
	s8 =	sor.u32 s3, s8;
	s30 =	sshrl.u32 s6, $0x1  }
0xb: {  	s8 =	smul.u32 $0x500, s8;
	s7 =	sadd.s32 s9, s7;
	s9 =	ssub.s32 s6, s30  }
0xc: {  	s31 =	sshrl.u32 s10, $0x2;
	s7 =	sshrl.u32 s7, $0x3;
	s9 =	smax.u32 s9, $0x1  }
0xd: {  	s8 =	sadd.s32 s8, s5;
	s11 =	sadd.s32 s7, s5;
	s7 =	sadd.s32 s31, s2  }
0xe: {  	s5 =	sadd.s32 $0xB800, s8;
	s6 =	sadd.s32 $0x1800, s8;
	s8 =	sadd.s32 $0x15800, s11  }
0xf: {  	s10 =	sadd.s32 $0x2000, s7;
	s11 =	sadd.s32 $0x4000, s7;
	s12 =	sadd.s32 $0x6000, s7  }
0x10: {  	s13 =	sadd.s32 $0x8000, s7;
	s14 =	sadd.s32 $0xA000, s7;
	s15 =	sadd.s32 $0xC000, s7  }
0x11: {  	v0 =	vimm.f32 $0.0e+00;
	s16 =	sadd.s32 $0xE000, s7;
	s17 =	sadd.s32 $0x10000, s7;
	s18 =	sadd.s32 $0x12000, s7  }
.LBB2_1:
0x12: {  	[tilespmem:s4], [sflag:$0x1] =	stream.linear.gather [hbm4b:s5+s4], $0x2780, $0x38;
	[tilespmem:$0x1F000] =	vst v63  }
0x13: {  	s29 =	simm.s32 $0x0;
	s30 =	simm.s32 $0x200  }
0x14: {  	[tilespmem:s19], [sflag:$0x1] =	stream.linear.gather [hbm4b:s6+s4], $0x2780, $0x38;
	[tilespmem:$0x1F000] =	vst v63  }
.LBB2_2:
0x15: {  	p0 =	sne.s32 s30, $0x7E00;
	[tilespmem:s29+$0x9070] =	vst v0  }
0x16: {  	[tilespmem:s29+$0x9000] =	vst v0  }
0x17: {  	[tilespmem:s29+$0x9010] =	vst v0  }
.Ltmp0:
0x18: {  	[tilespmem:s29+$0x9020] =	vst v0;
	(pc) =	sbr.rel @p0 .LBB2_2-.Ltmp0, $4  }
0x19: {  	[tilespmem:s29+$0x9030] =	vst v0  }
0x1a: {  	[tilespmem:s29+$0x9040] =	vst v0  }
0x1b: {  	[tilespmem:s29+$0x9050] =	vst v0  }
0x1c: {  	[tilespmem:s29+$0x9060] =	vst v0;
	s29 =	sshra.s32 s30, $0x2;
	s30 =	sadd.s32 $0x200, s30  }
0x1d: {  	[tilespmem:s29+$0x9070] =	vst v0  }
0x1e: {  	[tilespmem:s29+$0x9000] =	vst v0  }
0x1f: {  	[tilespmem:s29+$0x9010] =	vst v0  }
0x20: {  	[tilespmem:s29+$0x9020] =	vst v0  }
0x21: {  	[tilespmem:s29+$0x9030] =	vst v0  }
0x22: {  	[tilespmem:s29+$0x9040] =	vst v0  }
0x23: {  	[tilespmem:s29+$0x9050] =	vst v0  }
0x24: {  	[tilespmem:s29+$0x9060] =	vst v0  }
0x25: {  	[spmem:s7] =	stream.linear.scatter [tilespmem:s20], [sflag:$0x2], $0x2000, $0x38;
	[tilespmem:$0x1F000] =	vst v63  }
0x26: {  	_ = 	snop  }
0x27: {  	[spmem:s10] =	stream.linear.scatter [tilespmem:s20], [sflag:$0x2], $0x2000, $0x38;
	[tilespmem:$0x1F000] =	vst v63  }
0x28: {  	_ = 	snop  }
0x29: {  	[spmem:s11] =	stream.linear.scatter [tilespmem:s20], [sflag:$0x2], $0x2000, $0x38;
	[tilespmem:$0x1F000] =	vst v63  }
0x2a: {  	_ = 	snop  }
0x2b: {  	[spmem:s12] =	stream.linear.scatter [tilespmem:s20], [sflag:$0x2], $0x2000, $0x38;
	[tilespmem:$0x1F000] =	vst v63  }
0x2c: {  	_ = 	snop  }
0x2d: {  	[spmem:s13] =	stream.linear.scatter [tilespmem:s20], [sflag:$0x2], $0x2000, $0x38;
	[tilespmem:$0x1F000] =	vst v63  }
0x2e: {  	_ = 	snop  }
0x2f: {  	[spmem:s14] =	stream.linear.scatter [tilespmem:s20], [sflag:$0x2], $0x2000, $0x38;
	[tilespmem:$0x1F000] =	vst v63  }
0x30: {  	_ = 	snop  }
0x31: {  	[spmem:s15] =	stream.linear.scatter [tilespmem:s20], [sflag:$0x2], $0x2000, $0x38;
	[tilespmem:$0x1F000] =	vst v63  }
0x32: {  	_ = 	snop  }
0x33: {  	[spmem:s16] =	stream.linear.scatter [tilespmem:s20], [sflag:$0x2], $0x2000, $0x38;
	[tilespmem:$0x1F000] =	vst v63  }
0x34: {  	_ = 	snop  }
0x35: {  	[spmem:s17] =	stream.linear.scatter [tilespmem:s20], [sflag:$0x2], $0x2000, $0x38;
	[tilespmem:$0x1F000] =	vst v63  }
0x36: {  	_ = 	snop  }
0x37: {  	[spmem:s18] =	stream.linear.scatter [tilespmem:s20], [sflag:$0x2], $0x2000, $0x38;
	[tilespmem:$0x1F000] =	vst v63  }
0x38: {  	_ =	swait.ge [sflag:s21], $0x2780  }
0x39: {  	[sflag:s21] =	ssyncset.done $0x0  }
0x3a: {  	[sflag:s21] =	ssyncadd.s32 $0xFFFFD880  }
0x3b: {  	_ =	swait.ge [sflag:s21], $0x2780  }
0x3c: {  	[sflag:s21] =	ssyncset.done $0x0  }
0x3d: {  	[sflag:s21] =	ssyncadd.s32 $0xFFFFD880  }
0x3e: {  	[tilespmem:s23], [sflag:$0x3] =	stream.indirect.gather [hbm4b:s1+s22], $0x80, s4, s22, $0xb8;
	[tilespmem:$0x1F000] =	vst v63  }
0x3f: {  	_ =	swait.ge [sflag:s24], $0x2000  }
0x40: {  	[sflag:s24] =	ssyncset.done $0x0  }
0x41: {  	[sflag:s24] =	ssyncadd.s32 $0xFFFFE000  }
0x42: {  	_ =	swait.ge [sflag:s24], $0x2000  }
0x43: {  	[sflag:s24] =	ssyncset.done $0x0  }
0x44: {  	[sflag:s24] =	ssyncadd.s32 $0xFFFFE000  }
0x45: {  	_ =	swait.ge [sflag:s24], $0x2000  }
0x46: {  	[sflag:s24] =	ssyncset.done $0x0  }
0x47: {  	[sflag:s24] =	ssyncadd.s32 $0xFFFFE000  }
0x48: {  	_ =	swait.ge [sflag:s24], $0x2000  }
0x49: {  	[sflag:s24] =	ssyncset.done $0x0  }
0x4a: {  	[sflag:s24] =	ssyncadd.s32 $0xFFFFE000  }
0x4b: {  	_ =	swait.ge [sflag:s24], $0x2000  }
0x4c: {  	[sflag:s24] =	ssyncset.done $0x0  }
0x4d: {  	[sflag:s24] =	ssyncadd.s32 $0xFFFFE000  }
0x4e: {  	_ =	swait.ge [sflag:s24], $0x2000  }
0x4f: {  	[sflag:s24] =	ssyncset.done $0x0  }
0x50: {  	[sflag:s24] =	ssyncadd.s32 $0xFFFFE000  }
0x51: {  	_ =	swait.ge [sflag:s24], $0x2000  }
0x52: {  	[sflag:s24] =	ssyncset.done $0x0  }
0x53: {  	[sflag:s24] =	ssyncadd.s32 $0xFFFFE000  }
0x54: {  	_ =	swait.ge [sflag:s24], $0x2000  }
0x55: {  	[sflag:s24] =	ssyncset.done $0x0  }
0x56: {  	[sflag:s24] =	ssyncadd.s32 $0xFFFFE000  }
0x57: {  	_ =	swait.ge [sflag:s24], $0x2000  }
0x58: {  	[sflag:s24] =	ssyncset.done $0x0  }
0x59: {  	[sflag:s24] =	ssyncadd.s32 $0xFFFFE000  }
0x5a: {  	_ =	swait.ge [sflag:s24], $0x2000  }
0x5b: {  	[sflag:s24] =	ssyncset.done $0x0  }
0x5c: {  	[sflag:s24] =	ssyncadd.s32 $0xFFFFE000  }
0x5d: {  	[bflag:$0x0] =	sbarrier.arrive $0xFFFF  }
0x5e: {  	_ =	swait.ge [sflag:s25], $0x4000  }
0x5f: {  	[sflag:s25] =	ssyncset.done $0x0  }
0x60: {  	[sflag:s25] =	ssyncadd.s32 $0xFFFFC000  }
0x61: {  	[spmem:s2] =	stream.indirect.scatter.add.f32 [tilespmem:s23], [sflag:$0x4], $0x80, s19, s22, $0xb8;
	[tilespmem:$0x1F000] =	vst v63  }
0x62: {  	_ =	swait.ge [sflag:s26], $0x4000  }
0x63: {  	[sflag:s26] =	ssyncset.done $0x0  }
0x64: {  	s29 =	simm.s32 $0x80;
	[sflag:s26] =	ssyncadd.s32 $0xFFFFC000  }
0x65: {  	[tilespmem:s23], [sflag:$0x4] =	stream.indirect.gather [hbm4b:s1+s22], $0x80, s29, s22, $0xb8;
	[tilespmem:$0x1F000] =	vst v63  }
0x66: {  	_ =	swait.ge [sflag:s26], $0x4000  }
0x67: {  	[sflag:s26] =	ssyncset.done $0x0  }
0x68: {  	s29 =	simm.s32 $0x2880;
	[sflag:s26] =	ssyncadd.s32 $0xFFFFC000  }
0x69: {  	[spmem:s2] =	stream.indirect.scatter.add.f32 [tilespmem:s23], [sflag:$0x4], $0x80, s29, s22, $0xb8;
	[tilespmem:$0x1F000] =	vst v63  }
0x6a: {  	_ =	swait.ge [sflag:s26], $0x4000  }
0x6b: {  	s30 =	simm.s32 $0x600;
	s29 =	simm.s32 $0x400;
	[sflag:s26] =	ssyncset.done $0x0  }
.LBB2_4:
0x6c: {  	s31 =	sshra.s32 s29, $0x2  }
0x6d: {  	[sflag:s26] =	ssyncadd.s32 $0xFFFFC000;
	s29 =	smov.u32 s30;
	s0 =	sadd.s32 $0x200, s30  }
0x6e: {  	[tilespmem:s23], [sflag:$0x4] =	stream.indirect.gather [hbm4b:s1+s22], $0x80, s31, s22, $0xb8;
	[tilespmem:$0x1F000] =	vst v63  }
0x6f: {  	p0 =	sne.s32 s30, $0x9C00;
	_ =	swait.ge [sflag:s26], $0x4000  }
.Ltmp1:
0x70: {  	[sflag:s26] =	ssyncset.done $0x0;
	(pc) =	sbr.rel @p0 .LBB2_4-.Ltmp1, $4  }
0x71: {  	s30 =	sadd.s32 $0x2800, s31;
	[sflag:s26] =	ssyncadd.s32 $0xFFFFC000  }
0x72: {  	[spmem:s2] =	stream.indirect.scatter.add.f32 [tilespmem:s23], [sflag:$0x4], $0x80, s30, s22, $0xb8;
	[tilespmem:$0x1F000] =	vst v63  }
0x73: {  	_ =	swait.ge [sflag:s26], $0x4000  }
0x74: {  	s30 =	smov.u32 s0;
	[sflag:s26] =	ssyncset.done $0x0  }
0x75: {  	s0 =	sshra.s32 s29, $0x2;
	[sflag:s26] =	ssyncadd.s32 $0xFFFFC000  }
0x76: {  	[tilespmem:s23], [sflag:$0x4] =	stream.indirect.gather [hbm4b:s1+s22], $0x80, s0, s22, $0xb8;
	[tilespmem:$0x1F000] =	vst v63  }
0x77: {  	_ =	swait.ge [sflag:s26], $0x4000  }
0x78: {  	[sflag:s26] =	ssyncset.done $0x0  }
0x79: {  	s0 =	sadd.s32 $0x2800, s0;
	[sflag:s26] =	ssyncadd.s32 $0xFFFFC000  }
0x7a: {  	[spmem:s2] =	stream.indirect.scatter.add.f32 [tilespmem:s23], [sflag:$0x4], $0x80, s0, s22, $0xb8;
	[tilespmem:$0x1F000] =	vst v63  }
0x7b: {  	_ =	swait.ge [sflag:s26], $0x4000  }
0x7c: {  	s30 =	sshll.u32 s3, $0x6;
	s28 =	sadd.s32 $0x1, s28;
	[sflag:s26] =	ssyncset.done $0x0  }
0x7d: {  	s31 =	sshrl.u32 s7, $0x3;
	p0 =	sne.s32 s28, s9;
	[sflag:s26] =	ssyncadd.s32 $0xFFFFC000  }
.Ltmp2:
0x7e: {  	s0 =	sor.u32 $0x1C04, s30;
	[bflag:$0x0] =	sbarrier.arrive $0xFFFF;
	(pc) =	sbr.rel @p0 .LBB2_1-.Ltmp2, $4  }
0x7f: {  	[hbm:s8], [sflag:s0] =	dma.local [spmem:s31], $0x2800  }
0x80: {  	_ =	swait.ge [sflag:s26], $0x2800  }
0x81: {  	[sflag:s26] =	ssyncset.done $0x0  }
0x82: {  	[sflag:s26] =	ssyncadd.s32 $0xFFFFD800  }
0x83: {  	_ =	sfence.sel $0x180000  }
0x84: {  	[bflag:$0x0] =	sbarrier.arrive $0xFFFF  }
0x85: {  	_ =	strace $0x9000004A  }
0x86: {  	[bflag:$0x2] =	sbarrier.arrive $0xFFFF  }
0x87: {  	p0 =	sne.s32 s3, $0x0;
	s0 =	rddreg [dreg:$0x3]  }
0x88: {  	s0 =	sadd.s32 @!p0 $0x100000, s0  }
0x89: {  	[sflag:s0] =	ssyncadd.tile.s32 @!p0 $0x1;
	_ =	shalt  }
.Lfunc_end2:
_tile_overlayer_lowered:
.L_overlay_start_2:
0x8a: {  	(tag) =	ssettag $0x2  }
0x8b: {  	s0 =	rddreg [dreg:$0x0];
	s2 =	stileid.u32  }
0x8c: {  	s1 =	rddreg [dreg:$0x1];
	p0 =	sne.s32 s2, $0x0  }
0x8d: {  	s3 =	rddreg [dreg:$0x2];
	[bflag:$0x3] =	sbarrier.arrive $0xFFFF;
	s2 =	simm.s32 @!p0 $0x1C04  }
0x8e: {  	[timem:s3], [sflag:s2] =	dma.local @!p0 [hbm:s0], s1  }
0x8f: {  	s0 =	simm.s32 @!p0 $0x4  }
0x90: {  	_ =	swait.ge @!p0 [sflag:s0], s1  }
0x91: {  	s1 =	ssub.s32 @!p0 $0x0, s1;
	[sflag:s0] =	ssyncset.done @!p0 $0x0  }
0x92: {  	[sflag:s0] =	ssyncadd.s32 @!p0 s1  }
0x93: {  	[bflag:$0x3] =	sbarrier.arrive $0xFFFF  }
0x94: {  	_ =	shalt  }

</sc_bundles>
